<compile_context>
chip_gen: v7x
topology: tpu7x:2x2x1
jax: 0.10.2.dev20260603
libtpu: 0.0.44.dev20260713+nightly
codegen_flags: <defaults>
</compile_context>

<pallas_src>
import functools

import jax
import jax.numpy as jnp
from jax import lax
from jax.experimental import pallas as pl
from jax.experimental.pallas import tpu as pltpu
from jax.experimental.pallas import tpu_sc as plsc

_NC = 2
_NS = 16
_NW = _NC * _NS
_C = 128
_NBUF = 6
_DEPTH = 5


@functools.lru_cache(maxsize=None)
def _make_gather(batch, fields, d):
    rows_w = batch // _NW
    nsub = rows_w // _C
    nchunk = fields * nsub
    mesh = plsc.VectorSubcoreMesh(core_axis_name="c", subcore_axis_name="s")

    @functools.partial(
        pl.kernel,
        mesh=mesh,
        out_type=jax.ShapeDtypeStruct((fields, batch, d), jnp.float32),
        scratch_types=[
            pltpu.VMEM((fields, rows_w), jnp.int32),
        ]
        + [pltpu.VMEM((_C, d), jnp.float32)] * _NBUF
        + [pltpu.SemaphoreType.DMA] * (2 * _NBUF),
    )
    def k(obs_t_hbm, table_hbm, out_hbm, idx_v, *rest):
        rows_v = rest[:_NBUF]
        sems = rest[_NBUF:]
        semg = sems[:_NBUF]
        semw = sems[_NBUF:]
        wid = lax.axis_index("s") * _NC + lax.axis_index("c")
        row0 = wid * rows_w
        pltpu.sync_copy(obs_t_hbm.at[:, pl.ds(row0, rows_w)], idx_v)

        def gather_start(c, b):
            f = c // nsub
            sub = c - f * nsub
            pltpu.make_async_copy(
                table_hbm.at[idx_v.at[f, pl.ds(sub * _C, _C)]],
                rows_v[b],
                semg[b],
            ).start()

        def gather_wait(b):
            pltpu.make_async_copy(
                table_hbm.at[idx_v.at[0, pl.ds(0, _C)]], rows_v[b], semg[b]
            ).wait()

        def write_start(c, b):
            f = c // nsub
            sub = c - f * nsub
            pltpu.make_async_copy(
                rows_v[b],
                out_hbm.at[f, pl.ds(row0 + sub * _C, _C)],
                semw[b],
            ).start()

        def write_wait(b):
            pltpu.make_async_copy(
                rows_v[b], out_hbm.at[0, pl.ds(row0, _C)], semw[b]
            ).wait()

        for c in range(_DEPTH):
            gather_start(c, c)

        def body(i, carry):
            for b in range(_NBUF):
                c = _NBUF * i + b
                gather_wait(b)
                write_start(c, b)
                nb = (b + _DEPTH) % _NBUF
                cn = c + _DEPTH

                @pl.when(cn < nchunk)
                def _():
                    @pl.when(cn - _NBUF >= 0)
                    def _():
                        write_wait(nb)

                    gather_start(cn, nb)

            return carry

        lax.fori_loop(0, nchunk // _NBUF, body, 0)
        for c in range(nchunk - nchunk % _NBUF, nchunk):
            gather_wait(c % _NBUF)
            write_start(c, c % _NBUF)
        for b in range(_NBUF):
            write_wait(b)

    return k


def kernel(obs, emb_table):
    batch, fields = obs.shape
    n_cat, d = emb_table.shape
    obs_t = obs.astype(jnp.int32).T
    out_t = _make_gather(batch, fields, d)(obs_t, emb_table)
    return jnp.transpose(out_t, (1, 0, 2))

# --- scband reference (transcript-rebuilt; emitter-appended) ---
"""Pipeline reference for scband-categorical-featurizer-52939766890909 (READ-ONLY COPY).

The authoritative reference and input builder live on the scoring server;
editing this copy changes nothing except your own understanding.
"""

import jax, jax.numpy as jnp
import numpy as np

N_CAT = 100000
EMB_DIM = 128
BATCH = 16384
FIELDS = 26

def setup_inputs(seed: int = 0) -> dict:
    key = jax.random.key(seed)
    k_obs, k_emb = jax.random.split(key)
    obs = jax.random.randint(k_obs, (BATCH, FIELDS), 0, N_CAT, dtype=jnp.int64 if jax.config.jax_enable_x64 else jnp.int32)
    emb_table = jax.random.normal(k_emb, (N_CAT, EMB_DIM), dtype=jnp.float32)
    return {"obs": obs, "emb_table": emb_table}

def reference(obs, emb_table):
    # CategoricalFeaturizer with one_hot_encode_features=False:
    # return self.embeddings(obs)  -> table gather
    return jnp.take(emb_table, obs, axis=0)

if __name__ == "__main__":
    import jax
    _d = setup_inputs()
    print(jax.jit(kernel)(*tuple(_d.values())))

</pallas_src>

<mosaic_0001>
#map = affine_map<(d0, d1) -> (0, 0)>
#map1 = affine_map<(d0, d1) -> (0, 0, 0)>
module attributes {stable_mosaic.version = 14 : i64} {
  func.func @k(%arg0: i32, %arg1: i32, %arg2: memref<26x16384xi32, #tpu.memory_space<hbm>>, %arg3: memref<100000x128xf32, #tpu.memory_space<hbm>>, %arg4: memref<26x16384x128xf32, #tpu.memory_space<hbm>>, %arg5: memref<26x512xi32, #tpu.memory_space<vmem>>, %arg6: memref<128x128xf32, #tpu.memory_space<vmem>>, %arg7: memref<128x128xf32, #tpu.memory_space<vmem>>, %arg8: memref<128x128xf32, #tpu.memory_space<vmem>>, %arg9: memref<128x128xf32, #tpu.memory_space<vmem>>, %arg10: memref<128x128xf32, #tpu.memory_space<vmem>>, %arg11: memref<128x128xf32, #tpu.memory_space<vmem>>, %arg12: memref<!tpu.dma_semaphore, #tpu.memory_space<semaphore_mem>>, %arg13: memref<!tpu.dma_semaphore, #tpu.memory_space<semaphore_mem>>, %arg14: memref<!tpu.dma_semaphore, #tpu.memory_space<semaphore_mem>>, %arg15: memref<!tpu.dma_semaphore, #tpu.memory_space<semaphore_mem>>, %arg16: memref<!tpu.dma_semaphore, #tpu.memory_space<semaphore_mem>>, %arg17: memref<!tpu.dma_semaphore, #tpu.memory_space<semaphore_mem>>, %arg18: memref<!tpu.dma_semaphore, #tpu.memory_space<semaphore_mem>>, %arg19: memref<!tpu.dma_semaphore, #tpu.memory_space<semaphore_mem>>, %arg20: memref<!tpu.dma_semaphore, #tpu.memory_space<semaphore_mem>>, %arg21: memref<!tpu.dma_semaphore, #tpu.memory_space<semaphore_mem>>, %arg22: memref<!tpu.dma_semaphore, #tpu.memory_space<semaphore_mem>>, %arg23: memref<!tpu.dma_semaphore, #tpu.memory_space<semaphore_mem>>) attributes {dimension_semantics = [#tpu.dimension_semantics<core_parallel>, #tpu.dimension_semantics<subcore_parallel>], iteration_bounds = array<i64: 2, 16>, scalar_prefetch = 0 : i64, scratch_operands = 19 : i64, tpu.core_type = #tpu.core_type<sc_vector_subcore>, window_params = [{transform_indices = #map}, {transform_indices = #map}, {transform_indices = #map1}]} {
    %mul3A = arith.constant 2 : i32
    %mul3A_0 = arith.muli %arg1, %mul3A : i32
    %add3A = arith.addi %mul3A_0, %arg0 : i32
    %mul3A_1 = arith.constant 512 : i32
    %mul3A_2 = arith.muli %add3A, %mul3A_1 : i32
    "tpu.region"() ({
      %run_scoped3A = tpu.sem_alloc : memref<!tpu.dma_semaphore, #tpu.memory_space<semaphore_mem>>
      %dma_start3A_115 = arith.constant 0 : i32
      %dma_start3A_116 = tpu.memref_slice %arg2[%dma_start3A_115, %mul3A_2] : memref<26x16384xi32, #tpu.memory_space<hbm>> -> memref<26x512xi32, #tpu.memory_space<hbm>>
      %dma_start3A_117 = arith.constant 0 : i32
      %dma_start3A_118 = tpu.memref_slice %arg2[%dma_start3A_117, %mul3A_2] : memref<26x16384xi32, #tpu.memory_space<hbm>> -> memref<26x512xi32, #tpu.memory_space<hbm>>
      tpu.enqueue_dma source(%dma_start3A_118 : memref<26x512xi32, #tpu.memory_space<hbm>>) target(%arg5 : memref<26x512xi32, #tpu.memory_space<vmem>>) target_semaphore(%run_scoped3A : memref<!tpu.dma_semaphore, #tpu.memory_space<semaphore_mem>>)
      %dma_wait3A_119 = arith.constant 0 : i32
      %dma_wait3A_120 = tpu.memref_slice %arg2[%dma_wait3A_119, %mul3A_2] : memref<26x16384xi32, #tpu.memory_space<hbm>> -> memref<26x512xi32, #tpu.memory_space<hbm>>
      %dma_wait3A_121 = arith.constant 0 : i32
      %dma_wait3A_122 = tpu.memref_slice %arg2[%dma_wait3A_121, %mul3A_2] : memref<26x16384xi32, #tpu.memory_space<hbm>> -> memref<26x512xi32, #tpu.memory_space<hbm>>
      tpu.wait_dma2 semaphore(%run_scoped3A : memref<!tpu.dma_semaphore, #tpu.memory_space<semaphore_mem>>) src(%dma_wait3A_122 : memref<26x512xi32, #tpu.memory_space<hbm>>) dst(%arg5 : memref<26x512xi32, #tpu.memory_space<vmem>>)
      tpu.yield
    }) : () -> ()
    %dma_start3A = arith.constant 0 : i32
    %dma_start3A_3 = arith.constant 0 : i32
    %dma_start3A_4 = tpu.memref_slice %arg5[%dma_start3A, %dma_start3A_3] : memref<26x512xi32, #tpu.memory_space<vmem>> -> memref<1x128xi32, #tpu.memory_space<vmem>>
    %dma_start3A_5 = tpu.memref_squeeze %dma_start3A_4 : memref<1x128xi32, #tpu.memory_space<vmem>> -> memref<128xi32, #tpu.memory_space<vmem>>
    %dma_start3A_6 = arith.constant 0 : i32
    %dma_start3A_7 = arith.constant 0 : i32
    %dma_start3A_8 = tpu.memref_slice %arg3[%dma_start3A_6, %dma_start3A_7] : memref<100000x128xf32, #tpu.memory_space<hbm>> -> memref<100000x128xf32, #tpu.memory_space<hbm>>
    tpu.enqueue_indirect_dma source(%dma_start3A_8 : memref<100000x128xf32, #tpu.memory_space<hbm>>) target(%arg6 : memref<128x128xf32, #tpu.memory_space<vmem>>) offsets(%dma_start3A_5 : memref<128xi32, #tpu.memory_space<vmem>>) semaphore(%arg12 : memref<!tpu.dma_semaphore, #tpu.memory_space<semaphore_mem>>)
    %dma_start3A_9 = arith.constant 0 : i32
    %dma_start3A_10 = arith.constant 128 : i32
    %dma_start3A_11 = tpu.memref_slice %arg5[%dma_start3A_9, %dma_start3A_10] : memref<26x512xi32, #tpu.memory_space<vmem>> -> memref<1x128xi32, #tpu.memory_space<vmem>>
    %dma_start3A_12 = tpu.memref_squeeze %dma_start3A_11 : memref<1x128xi32, #tpu.memory_space<vmem>> -> memref<128xi32, #tpu.memory_space<vmem>>
    %dma_start3A_13 = arith.constant 0 : i32
    %dma_start3A_14 = arith.constant 0 : i32
    %dma_start3A_15 = tpu.memref_slice %arg3[%dma_start3A_13, %dma_start3A_14] : memref<100000x128xf32, #tpu.memory_space<hbm>> -> memref<100000x128xf32, #tpu.memory_space<hbm>>
    tpu.enqueue_indirect_dma source(%dma_start3A_15 : memref<100000x128xf32, #tpu.memory_space<hbm>>) target(%arg7 : memref<128x128xf32, #tpu.memory_space<vmem>>) offsets(%dma_start3A_12 : memref<128xi32, #tpu.memory_space<vmem>>) semaphore(%arg13 : memref<!tpu.dma_semaphore, #tpu.memory_space<semaphore_mem>>)
    %dma_start3A_16 = arith.constant 0 : i32
    %dma_start3A_17 = arith.constant 256 : i32
    %dma_start3A_18 = tpu.memref_slice %arg5[%dma_start3A_16, %dma_start3A_17] : memref<26x512xi32, #tpu.memory_space<vmem>> -> memref<1x128xi32, #tpu.memory_space<vmem>>
    %dma_start3A_19 = tpu.memref_squeeze %dma_start3A_18 : memref<1x128xi32, #tpu.memory_space<vmem>> -> memref<128xi32, #tpu.memory_space<vmem>>
    %dma_start3A_20 = arith.constant 0 : i32
    %dma_start3A_21 = arith.constant 0 : i32
    %dma_start3A_22 = tpu.memref_slice %arg3[%dma_start3A_20, %dma_start3A_21] : memref<100000x128xf32, #tpu.memory_space<hbm>> -> memref<100000x128xf32, #tpu.memory_space<hbm>>
    tpu.enqueue_indirect_dma source(%dma_start3A_22 : memref<100000x128xf32, #tpu.memory_space<hbm>>) target(%arg8 : memref<128x128xf32, #tpu.memory_space<vmem>>) offsets(%dma_start3A_19 : memref<128xi32, #tpu.memory_space<vmem>>) semaphore(%arg14 : memref<!tpu.dma_semaphore, #tpu.memory_space<semaphore_mem>>)
    %dma_start3A_23 = arith.constant 0 : i32
    %dma_start3A_24 = arith.constant 384 : i32
    %dma_start3A_25 = tpu.memref_slice %arg5[%dma_start3A_23, %dma_start3A_24] : memref<26x512xi32, #tpu.memory_space<vmem>> -> memref<1x128xi32, #tpu.memory_space<vmem>>
    %dma_start3A_26 = tpu.memref_squeeze %dma_start3A_25 : memref<1x128xi32, #tpu.memory_space<vmem>> -> memref<128xi32, #tpu.memory_space<vmem>>
    %dma_start3A_27 = arith.constant 0 : i32
    %dma_start3A_28 = arith.constant 0 : i32
    %dma_start3A_29 = tpu.memref_slice %arg3[%dma_start3A_27, %dma_start3A_28] : memref<100000x128xf32, #tpu.memory_space<hbm>> -> memref<100000x128xf32, #tpu.memory_space<hbm>>
    tpu.enqueue_indirect_dma source(%dma_start3A_29 : memref<100000x128xf32, #tpu.memory_space<hbm>>) target(%arg9 : memref<128x128xf32, #tpu.memory_space<vmem>>) offsets(%dma_start3A_26 : memref<128xi32, #tpu.memory_space<vmem>>) semaphore(%arg15 : memref<!tpu.dma_semaphore, #tpu.memory_space<semaphore_mem>>)
    %dma_start3A_30 = arith.constant 1 : i32
    %dma_start3A_31 = arith.constant 0 : i32
    %dma_start3A_32 = tpu.memref_slice %arg5[%dma_start3A_30, %dma_start3A_31] : memref<26x512xi32, #tpu.memory_space<vmem>> -> memref<1x128xi32, #tpu.memory_space<vmem>>
    %dma_start3A_33 = tpu.memref_squeeze %dma_start3A_32 : memref<1x128xi32, #tpu.memory_space<vmem>> -> memref<128xi32, #tpu.memory_space<vmem>>
    %dma_start3A_34 = arith.constant 0 : i32
    %dma_start3A_35 = arith.constant 0 : i32
    %dma_start3A_36 = tpu.memref_slice %arg3[%dma_start3A_34, %dma_start3A_35] : memref<100000x128xf32, #tpu.memory_space<hbm>> -> memref<100000x128xf32, #tpu.memory_space<hbm>>
    tpu.enqueue_indirect_dma source(%dma_start3A_36 : memref<100000x128xf32, #tpu.memory_space<hbm>>) target(%arg10 : memref<128x128xf32, #tpu.memory_space<vmem>>) offsets(%dma_start3A_33 : memref<128xi32, #tpu.memory_space<vmem>>) semaphore(%arg16 : memref<!tpu.dma_semaphore, #tpu.memory_space<semaphore_mem>>)
    %scan3A = arith.constant 0 : i32
    %scan3A_37 = arith.constant 0 : i32
    %scan3A_38 = arith.constant 17 : i32
    %scan3A_39 = arith.addi %scan3A_37, %scan3A_38 : i32
    %scan3A_40 = arith.constant 1 : i32
    scf.for %scan3A_115 = %scan3A_37 to %scan3A_39 step %scan3A_40  : i32 {
      %mul3A_116 = arith.constant 6 : i32
      %mul3A_117 = arith.muli %mul3A_116, %scan3A_115 : i32
      %add3A_118 = arith.constant 0 : i32
      %add3A_119 = arith.addi %mul3A_117, %add3A_118 : i32
      %dma_wait3A_120 = arith.constant 0 : i32
      %dma_wait3A_121 = arith.constant 0 : i32
      %dma_wait3A_122 = tpu.memref_slice %arg5[%dma_wait3A_120, %dma_wait3A_121] : memref<26x512xi32, #tpu.memory_space<vmem>> -> memref<1x128xi32, #tpu.memory_space<vmem>>
      %dma_wait3A_123 = tpu.memref_squeeze %dma_wait3A_122 : memref<1x128xi32, #tpu.memory_space<vmem>> -> memref<128xi32, #tpu.memory_space<vmem>>
      %dma_wait3A_124 = arith.constant 0 : i32
      %dma_wait3A_125 = arith.constant 0 : i32
      %dma_wait3A_126 = tpu.memref_slice %arg3[%dma_wait3A_124, %dma_wait3A_125] : memref<100000x128xf32, #tpu.memory_space<hbm>> -> memref<100000x128xf32, #tpu.memory_space<hbm>>
      tpu.wait_indirect_dma semaphore(%arg12 : memref<!tpu.dma_semaphore, #tpu.memory_space<semaphore_mem>>) src(%dma_wait3A_126 : memref<100000x128xf32, #tpu.memory_space<hbm>>) dst(%arg6 : memref<128x128xf32, #tpu.memory_space<vmem>>)
      %jit3A = arith.constant 4 : i32
      %div3A = arith.divsi %add3A_119, %jit3A : i32
      %sign3A = arith.constant 0 : i32
      %sign3A_127 = arith.cmpi sgt, %add3A_119, %sign3A : i32
      %sign3A_128 = arith.extui %sign3A_127 : i1 to i32
      %sign3A_129 = arith.constant 0 : i32
      %sign3A_130 = arith.cmpi slt, %add3A_119, %sign3A_129 : i32
      %sign3A_131 = arith.extui %sign3A_130 : i1 to i32
      %sign3A_132 = arith.subi %sign3A_128, %sign3A_131 : i32
      %sign3A_133 = arith.constant 0 : i32
      %sign3A_134 = arith.cmpi sgt, %jit3A, %sign3A_133 : i32
      %sign3A_135 = arith.extui %sign3A_134 : i1 to i32
      %sign3A_136 = arith.constant 0 : i32
      %sign3A_137 = arith.cmpi slt, %jit3A, %sign3A_136 : i32
      %sign3A_138 = arith.extui %sign3A_137 : i1 to i32
      %sign3A_139 = arith.subi %sign3A_135, %sign3A_138 : i32
      %ne3A = arith.cmpi ne, %sign3A_132, %sign3A_139 : i32
      %rem3A = arith.remsi %add3A_119, %jit3A : i32
      %ne3A_140 = arith.constant 0 : i32
      %ne3A_141 = arith.cmpi ne, %rem3A, %ne3A_140 : i32
      %and3A = arith.andi %ne3A, %ne3A_141 : i1
      %sub3A = arith.constant 1 : i32
      %sub3A_142 = arith.subi %div3A, %sub3A : i32
      %select_n3A = arith.select %and3A, %sub3A_142, %div3A : i32
      %mul3A_143 = arith.constant 4 : i32
      %mul3A_144 = arith.muli %select_n3A, %mul3A_143 : i32
      %sub3A_145 = arith.subi %add3A_119, %mul3A_144 : i32
      %mul3A_146 = arith.constant 128 : i32
      %mul3A_147 = arith.muli %sub3A_145, %mul3A_146 : i32
      %add3A_148 = arith.addi %mul3A_2, %mul3A_147 : i32
      %dma_start3A_149 = arith.constant 0 : i32
      %dma_start3A_150 = tpu.memref_slice %arg4[%select_n3A, %add3A_148, %dma_start3A_149] : memref<26x16384x128xf32, #tpu.memory_space<hbm>> -> memref<1x128x128xf32, #tpu.memory_space<hbm>>
      %dma_start3A_151 = tpu.memref_squeeze %dma_start3A_150 : memref<1x128x128xf32, #tpu.memory_space<hbm>> -> memref<128x128xf32, #tpu.memory_space<hbm>>
      %dma_start3A_152 = arith.constant 0 : i32
      %dma_start3A_153 = tpu.memref_slice %arg4[%select_n3A, %add3A_148, %dma_start3A_152] : memref<26x16384x128xf32, #tpu.memory_space<hbm>> -> memref<1x128x128xf32, #tpu.memory_space<hbm>>
      %dma_start3A_154 = tpu.memref_squeeze %dma_start3A_153 : memref<1x128x128xf32, #tpu.memory_space<hbm>> -> memref<128x128xf32, #tpu.memory_space<hbm>>
      tpu.enqueue_dma source(%arg6 : memref<128x128xf32, #tpu.memory_space<vmem>>) target(%dma_start3A_154 : memref<128x128xf32, #tpu.memory_space<hbm>>) target_semaphore(%arg18 : memref<!tpu.dma_semaphore, #tpu.memory_space<semaphore_mem>>)
      %add3A_155 = arith.constant 5 : i32
      %add3A_156 = arith.addi %add3A_119, %add3A_155 : i32
      %lt3A = arith.constant 104 : i32
      %lt3A_157 = arith.cmpi slt, %add3A_156, %lt3A : i32
      %convert_element_type3A = arith.extui %lt3A_157 : i1 to i32
      %cond3A = arith.constant 0 : i32
      %cond3A_158 = arith.cmpi ne, %convert_element_type3A, %cond3A : i32
      scf.if %cond3A_158 {
        %sub3A_429 = arith.constant 6 : i32
        %sub3A_430 = arith.subi %add3A_156, %sub3A_429 : i32
        %ge3A = arith.constant 0 : i32
        %ge3A_431 = arith.cmpi sge, %sub3A_430, %ge3A : i32
        %convert_element_type3A_432 = arith.extui %ge3A_431 : i1 to i32
        %cond3A_433 = arith.constant 0 : i32
        %cond3A_434 = arith.cmpi ne, %convert_element_type3A_432, %cond3A_433 : i32
        scf.if %cond3A_434 {
          %dma_wait3A_469 = arith.constant 0 : i32
          %dma_wait3A_470 = arith.constant 0 : i32
          %dma_wait3A_471 = tpu.memref_slice %arg4[%dma_wait3A_469, %mul3A_2, %dma_wait3A_470] : memref<26x16384x128xf32, #tpu.memory_space<hbm>> -> memref<1x128x128xf32, #tpu.memory_space<hbm>>
          %dma_wait3A_472 = tpu.memref_squeeze %dma_wait3A_471 : memref<1x128x128xf32, #tpu.memory_space<hbm>> -> memref<128x128xf32, #tpu.memory_space<hbm>>
          %dma_wait3A_473 = arith.constant 0 : i32
          %dma_wait3A_474 = tpu.memref_slice %arg4[%dma_wait3A_469, %mul3A_2, %dma_wait3A_473] : memref<26x16384x128xf32, #tpu.memory_space<hbm>> -> memref<1x128x128xf32, #tpu.memory_space<hbm>>
          %dma_wait3A_475 = tpu.memref_squeeze %dma_wait3A_474 : memref<1x128x128xf32, #tpu.memory_space<hbm>> -> memref<128x128xf32, #tpu.memory_space<hbm>>
          tpu.wait_dma2 semaphore(%arg23 : memref<!tpu.dma_semaphore, #tpu.memory_space<semaphore_mem>>) src(%arg11 : memref<128x128xf32, #tpu.memory_space<vmem>>) dst(%dma_wait3A_475 : memref<128x128xf32, #tpu.memory_space<hbm>>)
        } else {
        }
        %jit3A_435 = arith.constant 4 : i32
        %div3A_436 = arith.divsi %add3A_156, %jit3A_435 : i32
        %sign3A_437 = arith.constant 0 : i32
        %sign3A_438 = arith.cmpi sgt, %add3A_156, %sign3A_437 : i32
        %sign3A_439 = arith.extui %sign3A_438 : i1 to i32
        %sign3A_440 = arith.constant 0 : i32
        %sign3A_441 = arith.cmpi slt, %add3A_156, %sign3A_440 : i32
        %sign3A_442 = arith.extui %sign3A_441 : i1 to i32
        %sign3A_443 = arith.subi %sign3A_439, %sign3A_442 : i32
        %sign3A_444 = arith.constant 0 : i32
        %sign3A_445 = arith.cmpi sgt, %jit3A_435, %sign3A_444 : i32
        %sign3A_446 = arith.extui %sign3A_445 : i1 to i32
        %sign3A_447 = arith.constant 0 : i32
        %sign3A_448 = arith.cmpi slt, %jit3A_435, %sign3A_447 : i32
        %sign3A_449 = arith.extui %sign3A_448 : i1 to i32
        %sign3A_450 = arith.subi %sign3A_446, %sign3A_449 : i32
        %ne3A_451 = arith.cmpi ne, %sign3A_443, %sign3A_450 : i32
        %rem3A_452 = arith.remsi %add3A_156, %jit3A_435 : i32
        %ne3A_453 = arith.constant 0 : i32
        %ne3A_454 = arith.cmpi ne, %rem3A_452, %ne3A_453 : i32
        %and3A_455 = arith.andi %ne3A_451, %ne3A_454 : i1
        %sub3A_456 = arith.constant 1 : i32
        %sub3A_457 = arith.subi %div3A_436, %sub3A_456 : i32
        %select_n3A_458 = arith.select %and3A_455, %sub3A_457, %div3A_436 : i32
        %mul3A_459 = arith.constant 4 : i32
        %mul3A_460 = arith.muli %select_n3A_458, %mul3A_459 : i32
        %sub3A_461 = arith.subi %add3A_156, %mul3A_460 : i32
        %mul3A_462 = arith.constant 128 : i32
        %mul3A_463 = arith.muli %sub3A_461, %mul3A_462 : i32
        %dma_start3A_464 = tpu.memref_slice %arg5[%select_n3A_458, %mul3A_463] : memref<26x512xi32, #tpu.memory_space<vmem>> -> memref<1x128xi32, #tpu.memory_space<vmem>>
        %dma_start3A_465 = tpu.memref_squeeze %dma_start3A_464 : memref<1x128xi32, #tpu.memory_space<vmem>> -> memref<128xi32, #tpu.memory_space<vmem>>
        %dma_start3A_466 = arith.constant 0 : i32
        %dma_start3A_467 = arith.constant 0 : i32
        %dma_start3A_468 = tpu.memref_slice %arg3[%dma_start3A_466, %dma_start3A_467] : memref<100000x128xf32, #tpu.memory_space<hbm>> -> memref<100000x128xf32, #tpu.memory_space<hbm>>
        tpu.enqueue_indirect_dma source(%dma_start3A_468 : memref<100000x128xf32, #tpu.memory_space<hbm>>) target(%arg11 : memref<128x128xf32, #tpu.memory_space<vmem>>) offsets(%dma_start3A_465 : memref<128xi32, #tpu.memory_space<vmem>>) semaphore(%arg17 : memref<!tpu.dma_semaphore, #tpu.memory_space<semaphore_mem>>)
      } else {
      }
      %mul3A_159 = arith.constant 6 : i32
      %mul3A_160 = arith.muli %mul3A_159, %scan3A_115 : i32
      %add3A_161 = arith.constant 1 : i32
      %add3A_162 = arith.addi %mul3A_160, %add3A_161 : i32
      %dma_wait3A_163 = arith.constant 0 : i32
      %dma_wait3A_164 = arith.constant 0 : i32
      %dma_wait3A_165 = tpu.memref_slice %arg5[%dma_wait3A_163, %dma_wait3A_164] : memref<26x512xi32, #tpu.memory_space<vmem>> -> memref<1x128xi32, #tpu.memory_space<vmem>>
      %dma_wait3A_166 = tpu.memref_squeeze %dma_wait3A_165 : memref<1x128xi32, #tpu.memory_space<vmem>> -> memref<128xi32, #tpu.memory_space<vmem>>
      %dma_wait3A_167 = arith.constant 0 : i32
      %dma_wait3A_168 = arith.constant 0 : i32
      %dma_wait3A_169 = tpu.memref_slice %arg3[%dma_wait3A_167, %dma_wait3A_168] : memref<100000x128xf32, #tpu.memory_space<hbm>> -> memref<100000x128xf32, #tpu.memory_space<hbm>>
      tpu.wait_indirect_dma semaphore(%arg13 : memref<!tpu.dma_semaphore, #tpu.memory_space<semaphore_mem>>) src(%dma_wait3A_169 : memref<100000x128xf32, #tpu.memory_space<hbm>>) dst(%arg7 : memref<128x128xf32, #tpu.memory_space<vmem>>)
      %jit3A_170 = arith.constant 4 : i32
      %div3A_171 = arith.divsi %add3A_162, %jit3A_170 : i32
      %sign3A_172 = arith.constant 0 : i32
      %sign3A_173 = arith.cmpi sgt, %add3A_162, %sign3A_172 : i32
      %sign3A_174 = arith.extui %sign3A_173 : i1 to i32
      %sign3A_175 = arith.constant 0 : i32
      %sign3A_176 = arith.cmpi slt, %add3A_162, %sign3A_175 : i32
      %sign3A_177 = arith.extui %sign3A_176 : i1 to i32
      %sign3A_178 = arith.subi %sign3A_174, %sign3A_177 : i32
      %sign3A_179 = arith.constant 0 : i32
      %sign3A_180 = arith.cmpi sgt, %jit3A_170, %sign3A_179 : i32
      %sign3A_181 = arith.extui %sign3A_180 : i1 to i32
      %sign3A_182 = arith.constant 0 : i32
      %sign3A_183 = arith.cmpi slt, %jit3A_170, %sign3A_182 : i32
      %sign3A_184 = arith.extui %sign3A_183 : i1 to i32
      %sign3A_185 = arith.subi %sign3A_181, %sign3A_184 : i32
      %ne3A_186 = arith.cmpi ne, %sign3A_178, %sign3A_185 : i32
      %rem3A_187 = arith.remsi %add3A_162, %jit3A_170 : i32
      %ne3A_188 = arith.constant 0 : i32
      %ne3A_189 = arith.cmpi ne, %rem3A_187, %ne3A_188 : i32
      %and3A_190 = arith.andi %ne3A_186, %ne3A_189 : i1
      %sub3A_191 = arith.constant 1 : i32
      %sub3A_192 = arith.subi %div3A_171, %sub3A_191 : i32
      %select_n3A_193 = arith.select %and3A_190, %sub3A_192, %div3A_171 : i32
      %mul3A_194 = arith.constant 4 : i32
      %mul3A_195 = arith.muli %select_n3A_193, %mul3A_194 : i32
      %sub3A_196 = arith.subi %add3A_162, %mul3A_195 : i32
      %mul3A_197 = arith.constant 128 : i32
      %mul3A_198 = arith.muli %sub3A_196, %mul3A_197 : i32
      %add3A_199 = arith.addi %mul3A_2, %mul3A_198 : i32
      %dma_start3A_200 = arith.constant 0 : i32
      %dma_start3A_201 = tpu.memref_slice %arg4[%select_n3A_193, %add3A_199, %dma_start3A_200] : memref<26x16384x128xf32, #tpu.memory_space<hbm>> -> memref<1x128x128xf32, #tpu.memory_space<hbm>>
      %dma_start3A_202 = tpu.memref_squeeze %dma_start3A_201 : memref<1x128x128xf32, #tpu.memory_space<hbm>> -> memref<128x128xf32, #tpu.memory_space<hbm>>
      %dma_start3A_203 = arith.constant 0 : i32
      %dma_start3A_204 = tpu.memref_slice %arg4[%select_n3A_193, %add3A_199, %dma_start3A_203] : memref<26x16384x128xf32, #tpu.memory_space<hbm>> -> memref<1x128x128xf32, #tpu.memory_space<hbm>>
      %dma_start3A_205 = tpu.memref_squeeze %dma_start3A_204 : memref<1x128x128xf32, #tpu.memory_space<hbm>> -> memref<128x128xf32, #tpu.memory_space<hbm>>
      tpu.enqueue_dma source(%arg7 : memref<128x128xf32, #tpu.memory_space<vmem>>) target(%dma_start3A_205 : memref<128x128xf32, #tpu.memory_space<hbm>>) target_semaphore(%arg19 : memref<!tpu.dma_semaphore, #tpu.memory_space<semaphore_mem>>)
      %add3A_206 = arith.constant 5 : i32
      %add3A_207 = arith.addi %add3A_162, %add3A_206 : i32
      %lt3A_208 = arith.constant 104 : i32
      %lt3A_209 = arith.cmpi slt, %add3A_207, %lt3A_208 : i32
      %convert_element_type3A_210 = arith.extui %lt3A_209 : i1 to i32
      %cond3A_211 = arith.constant 0 : i32
      %cond3A_212 = arith.cmpi ne, %convert_element_type3A_210, %cond3A_211 : i32
      scf.if %cond3A_212 {
        %sub3A_429 = arith.constant 6 : i32
        %sub3A_430 = arith.subi %add3A_207, %sub3A_429 : i32
        %ge3A = arith.constant 0 : i32
        %ge3A_431 = arith.cmpi sge, %sub3A_430, %ge3A : i32
        %convert_element_type3A_432 = arith.extui %ge3A_431 : i1 to i32
        %cond3A_433 = arith.constant 0 : i32
        %cond3A_434 = arith.cmpi ne, %convert_element_type3A_432, %cond3A_433 : i32
        scf.if %cond3A_434 {
          %dma_wait3A_469 = arith.constant 0 : i32
          %dma_wait3A_470 = arith.constant 0 : i32
          %dma_wait3A_471 = tpu.memref_slice %arg4[%dma_wait3A_469, %mul3A_2, %dma_wait3A_470] : memref<26x16384x128xf32, #tpu.memory_space<hbm>> -> memref<1x128x128xf32, #tpu.memory_space<hbm>>
          %dma_wait3A_472 = tpu.memref_squeeze %dma_wait3A_471 : memref<1x128x128xf32, #tpu.memory_space<hbm>> -> memref<128x128xf32, #tpu.memory_space<hbm>>
          %dma_wait3A_473 = arith.constant 0 : i32
          %dma_wait3A_474 = tpu.memref_slice %arg4[%dma_wait3A_469, %mul3A_2, %dma_wait3A_473] : memref<26x16384x128xf32, #tpu.memory_space<hbm>> -> memref<1x128x128xf32, #tpu.memory_space<hbm>>
          %dma_wait3A_475 = tpu.memref_squeeze %dma_wait3A_474 : memref<1x128x128xf32, #tpu.memory_space<hbm>> -> memref<128x128xf32, #tpu.memory_space<hbm>>
          tpu.wait_dma2 semaphore(%arg18 : memref<!tpu.dma_semaphore, #tpu.memory_space<semaphore_mem>>) src(%arg6 : memref<128x128xf32, #tpu.memory_space<vmem>>) dst(%dma_wait3A_475 : memref<128x128xf32, #tpu.memory_space<hbm>>)
        } else {
        }
        %jit3A_435 = arith.constant 4 : i32
        %div3A_436 = arith.divsi %add3A_207, %jit3A_435 : i32
        %sign3A_437 = arith.constant 0 : i32
        %sign3A_438 = arith.cmpi sgt, %add3A_207, %sign3A_437 : i32
        %sign3A_439 = arith.extui %sign3A_438 : i1 to i32
        %sign3A_440 = arith.constant 0 : i32
        %sign3A_441 = arith.cmpi slt, %add3A_207, %sign3A_440 : i32
        %sign3A_442 = arith.extui %sign3A_441 : i1 to i32
        %sign3A_443 = arith.subi %sign3A_439, %sign3A_442 : i32
        %sign3A_444 = arith.constant 0 : i32
        %sign3A_445 = arith.cmpi sgt, %jit3A_435, %sign3A_444 : i32
        %sign3A_446 = arith.extui %sign3A_445 : i1 to i32
        %sign3A_447 = arith.constant 0 : i32
        %sign3A_448 = arith.cmpi slt, %jit3A_435, %sign3A_447 : i32
        %sign3A_449 = arith.extui %sign3A_448 : i1 to i32
        %sign3A_450 = arith.subi %sign3A_446, %sign3A_449 : i32
        %ne3A_451 = arith.cmpi ne, %sign3A_443, %sign3A_450 : i32
        %rem3A_452 = arith.remsi %add3A_207, %jit3A_435 : i32
        %ne3A_453 = arith.constant 0 : i32
        %ne3A_454 = arith.cmpi ne, %rem3A_452, %ne3A_453 : i32
        %and3A_455 = arith.andi %ne3A_451, %ne3A_454 : i1
        %sub3A_456 = arith.constant 1 : i32
        %sub3A_457 = arith.subi %div3A_436, %sub3A_456 : i32
        %select_n3A_458 = arith.select %and3A_455, %sub3A_457, %div3A_436 : i32
        %mul3A_459 = arith.constant 4 : i32
        %mul3A_460 = arith.muli %select_n3A_458, %mul3A_459 : i32
        %sub3A_461 = arith.subi %add3A_207, %mul3A_460 : i32
        %mul3A_462 = arith.constant 128 : i32
        %mul3A_463 = arith.muli %sub3A_461, %mul3A_462 : i32
        %dma_start3A_464 = tpu.memref_slice %arg5[%select_n3A_458, %mul3A_463] : memref<26x512xi32, #tpu.memory_space<vmem>> -> memref<1x128xi32, #tpu.memory_space<vmem>>
        %dma_start3A_465 = tpu.memref_squeeze %dma_start3A_464 : memref<1x128xi32, #tpu.memory_space<vmem>> -> memref<128xi32, #tpu.memory_space<vmem>>
        %dma_start3A_466 = arith.constant 0 : i32
        %dma_start3A_467 = arith.constant 0 : i32
        %dma_start3A_468 = tpu.memref_slice %arg3[%dma_start3A_466, %dma_start3A_467] : memref<100000x128xf32, #tpu.memory_space<hbm>> -> memref<100000x128xf32, #tpu.memory_space<hbm>>
        tpu.enqueue_indirect_dma source(%dma_start3A_468 : memref<100000x128xf32, #tpu.memory_space<hbm>>) target(%arg6 : memref<128x128xf32, #tpu.memory_space<vmem>>) offsets(%dma_start3A_465 : memref<128xi32, #tpu.memory_space<vmem>>) semaphore(%arg12 : memref<!tpu.dma_semaphore, #tpu.memory_space<semaphore_mem>>)
      } else {
      }
      %mul3A_213 = arith.constant 6 : i32
      %mul3A_214 = arith.muli %mul3A_213, %scan3A_115 : i32
      %add3A_215 = arith.constant 2 : i32
      %add3A_216 = arith.addi %mul3A_214, %add3A_215 : i32
      %dma_wait3A_217 = arith.constant 0 : i32
      %dma_wait3A_218 = arith.constant 0 : i32
      %dma_wait3A_219 = tpu.memref_slice %arg5[%dma_wait3A_217, %dma_wait3A_218] : memref<26x512xi32, #tpu.memory_space<vmem>> -> memref<1x128xi32, #tpu.memory_space<vmem>>
      %dma_wait3A_220 = tpu.memref_squeeze %dma_wait3A_219 : memref<1x128xi32, #tpu.memory_space<vmem>> -> memref<128xi32, #tpu.memory_space<vmem>>
      %dma_wait3A_221 = arith.constant 0 : i32
      %dma_wait3A_222 = arith.constant 0 : i32
      %dma_wait3A_223 = tpu.memref_slice %arg3[%dma_wait3A_221, %dma_wait3A_222] : memref<100000x128xf32, #tpu.memory_space<hbm>> -> memref<100000x128xf32, #tpu.memory_space<hbm>>
      tpu.wait_indirect_dma semaphore(%arg14 : memref<!tpu.dma_semaphore, #tpu.memory_space<semaphore_mem>>) src(%dma_wait3A_223 : memref<100000x128xf32, #tpu.memory_space<hbm>>) dst(%arg8 : memref<128x128xf32, #tpu.memory_space<vmem>>)
      %jit3A_224 = arith.constant 4 : i32
      %div3A_225 = arith.divsi %add3A_216, %jit3A_224 : i32
      %sign3A_226 = arith.constant 0 : i32
      %sign3A_227 = arith.cmpi sgt, %add3A_216, %sign3A_226 : i32
      %sign3A_228 = arith.extui %sign3A_227 : i1 to i32
      %sign3A_229 = arith.constant 0 : i32
      %sign3A_230 = arith.cmpi slt, %add3A_216, %sign3A_229 : i32
      %sign3A_231 = arith.extui %sign3A_230 : i1 to i32
      %sign3A_232 = arith.subi %sign3A_228, %sign3A_231 : i32
      %sign3A_233 = arith.constant 0 : i32
      %sign3A_234 = arith.cmpi sgt, %jit3A_224, %sign3A_233 : i32
      %sign3A_235 = arith.extui %sign3A_234 : i1 to i32
      %sign3A_236 = arith.constant 0 : i32
      %sign3A_237 = arith.cmpi slt, %jit3A_224, %sign3A_236 : i32
      %sign3A_238 = arith.extui %sign3A_237 : i1 to i32
      %sign3A_239 = arith.subi %sign3A_235, %sign3A_238 : i32
      %ne3A_240 = arith.cmpi ne, %sign3A_232, %sign3A_239 : i32
      %rem3A_241 = arith.remsi %add3A_216, %jit3A_224 : i32
      %ne3A_242 = arith.constant 0 : i32
      %ne3A_243 = arith.cmpi ne, %rem3A_241, %ne3A_242 : i32
      %and3A_244 = arith.andi %ne3A_240, %ne3A_243 : i1
      %sub3A_245 = arith.constant 1 : i32
      %sub3A_246 = arith.subi %div3A_225, %sub3A_245 : i32
      %select_n3A_247 = arith.select %and3A_244, %sub3A_246, %div3A_225 : i32
      %mul3A_248 = arith.constant 4 : i32
      %mul3A_249 = arith.muli %select_n3A_247, %mul3A_248 : i32
      %sub3A_250 = arith.subi %add3A_216, %mul3A_249 : i32
      %mul3A_251 = arith.constant 128 : i32
      %mul3A_252 = arith.muli %sub3A_250, %mul3A_251 : i32
      %add3A_253 = arith.addi %mul3A_2, %mul3A_252 : i32
      %dma_start3A_254 = arith.constant 0 : i32
      %dma_start3A_255 = tpu.memref_slice %arg4[%select_n3A_247, %add3A_253, %dma_start3A_254] : memref<26x16384x128xf32, #tpu.memory_space<hbm>> -> memref<1x128x128xf32, #tpu.memory_space<hbm>>
      %dma_start3A_256 = tpu.memref_squeeze %dma_start3A_255 : memref<1x128x128xf32, #tpu.memory_space<hbm>> -> memref<128x128xf32, #tpu.memory_space<hbm>>
      %dma_start3A_257 = arith.constant 0 : i32
      %dma_start3A_258 = tpu.memref_slice %arg4[%select_n3A_247, %add3A_253, %dma_start3A_257] : memref<26x16384x128xf32, #tpu.memory_space<hbm>> -> memref<1x128x128xf32, #tpu.memory_space<hbm>>
      %dma_start3A_259 = tpu.memref_squeeze %dma_start3A_258 : memref<1x128x128xf32, #tpu.memory_space<hbm>> -> memref<128x128xf32, #tpu.memory_space<hbm>>
      tpu.enqueue_dma source(%arg8 : memref<128x128xf32, #tpu.memory_space<vmem>>) target(%dma_start3A_259 : memref<128x128xf32, #tpu.memory_space<hbm>>) target_semaphore(%arg20 : memref<!tpu.dma_semaphore, #tpu.memory_space<semaphore_mem>>)
      %add3A_260 = arith.constant 5 : i32
      %add3A_261 = arith.addi %add3A_216, %add3A_260 : i32
      %lt3A_262 = arith.constant 104 : i32
      %lt3A_263 = arith.cmpi slt, %add3A_261, %lt3A_262 : i32
      %convert_element_type3A_264 = arith.extui %lt3A_263 : i1 to i32
      %cond3A_265 = arith.constant 0 : i32
      %cond3A_266 = arith.cmpi ne, %convert_element_type3A_264, %cond3A_265 : i32
      scf.if %cond3A_266 {
        %sub3A_429 = arith.constant 6 : i32
        %sub3A_430 = arith.subi %add3A_261, %sub3A_429 : i32
        %ge3A = arith.constant 0 : i32
        %ge3A_431 = arith.cmpi sge, %sub3A_430, %ge3A : i32
        %convert_element_type3A_432 = arith.extui %ge3A_431 : i1 to i32
        %cond3A_433 = arith.constant 0 : i32
        %cond3A_434 = arith.cmpi ne, %convert_element_type3A_432, %cond3A_433 : i32
        scf.if %cond3A_434 {
          %dma_wait3A_469 = arith.constant 0 : i32
          %dma_wait3A_470 = arith.constant 0 : i32
          %dma_wait3A_471 = tpu.memref_slice %arg4[%dma_wait3A_469, %mul3A_2, %dma_wait3A_470] : memref<26x16384x128xf32, #tpu.memory_space<hbm>> -> memref<1x128x128xf32, #tpu.memory_space<hbm>>
          %dma_wait3A_472 = tpu.memref_squeeze %dma_wait3A_471 : memref<1x128x128xf32, #tpu.memory_space<hbm>> -> memref<128x128xf32, #tpu.memory_space<hbm>>
          %dma_wait3A_473 = arith.constant 0 : i32
          %dma_wait3A_474 = tpu.memref_slice %arg4[%dma_wait3A_469, %mul3A_2, %dma_wait3A_473] : memref<26x16384x128xf32, #tpu.memory_space<hbm>> -> memref<1x128x128xf32, #tpu.memory_space<hbm>>
          %dma_wait3A_475 = tpu.memref_squeeze %dma_wait3A_474 : memref<1x128x128xf32, #tpu.memory_space<hbm>> -> memref<128x128xf32, #tpu.memory_space<hbm>>
          tpu.wait_dma2 semaphore(%arg19 : memref<!tpu.dma_semaphore, #tpu.memory_space<semaphore_mem>>) src(%arg7 : memref<128x128xf32, #tpu.memory_space<vmem>>) dst(%dma_wait3A_475 : memref<128x128xf32, #tpu.memory_space<hbm>>)
        } else {
        }
        %jit3A_435 = arith.constant 4 : i32
        %div3A_436 = arith.divsi %add3A_261, %jit3A_435 : i32
        %sign3A_437 = arith.constant 0 : i32
        %sign3A_438 = arith.cmpi sgt, %add3A_261, %sign3A_437 : i32
        %sign3A_439 = arith.extui %sign3A_438 : i1 to i32
        %sign3A_440 = arith.constant 0 : i32
        %sign3A_441 = arith.cmpi slt, %add3A_261, %sign3A_440 : i32
        %sign3A_442 = arith.extui %sign3A_441 : i1 to i32
        %sign3A_443 = arith.subi %sign3A_439, %sign3A_442 : i32
        %sign3A_444 = arith.constant 0 : i32
        %sign3A_445 = arith.cmpi sgt, %jit3A_435, %sign3A_444 : i32
        %sign3A_446 = arith.extui %sign3A_445 : i1 to i32
        %sign3A_447 = arith.constant 0 : i32
        %sign3A_448 = arith.cmpi slt, %jit3A_435, %sign3A_447 : i32
        %sign3A_449 = arith.extui %sign3A_448 : i1 to i32
        %sign3A_450 = arith.subi %sign3A_446, %sign3A_449 : i32
        %ne3A_451 = arith.cmpi ne, %sign3A_443, %sign3A_450 : i32
        %rem3A_452 = arith.remsi %add3A_261, %jit3A_435 : i32
        %ne3A_453 = arith.constant 0 : i32
        %ne3A_454 = arith.cmpi ne, %rem3A_452, %ne3A_453 : i32
        %and3A_455 = arith.andi %ne3A_451, %ne3A_454 : i1
        %sub3A_456 = arith.constant 1 : i32
        %sub3A_457 = arith.subi %div3A_436, %sub3A_456 : i32
        %select_n3A_458 = arith.select %and3A_455, %sub3A_457, %div3A_436 : i32
        %mul3A_459 = arith.constant 4 : i32
        %mul3A_460 = arith.muli %select_n3A_458, %mul3A_459 : i32
        %sub3A_461 = arith.subi %add3A_261, %mul3A_460 : i32
        %mul3A_462 = arith.constant 128 : i32
        %mul3A_463 = arith.muli %sub3A_461, %mul3A_462 : i32
        %dma_start3A_464 = tpu.memref_slice %arg5[%select_n3A_458, %mul3A_463] : memref<26x512xi32, #tpu.memory_space<vmem>> -> memref<1x128xi32, #tpu.memory_space<vmem>>
        %dma_start3A_465 = tpu.memref_squeeze %dma_start3A_464 : memref<1x128xi32, #tpu.memory_space<vmem>> -> memref<128xi32, #tpu.memory_space<vmem>>
        %dma_start3A_466 = arith.constant 0 : i32
        %dma_start3A_467 = arith.constant 0 : i32
        %dma_start3A_468 = tpu.memref_slice %arg3[%dma_start3A_466, %dma_start3A_467] : memref<100000x128xf32, #tpu.memory_space<hbm>> -> memref<100000x128xf32, #tpu.memory_space<hbm>>
        tpu.enqueue_indirect_dma source(%dma_start3A_468 : memref<100000x128xf32, #tpu.memory_space<hbm>>) target(%arg7 : memref<128x128xf32, #tpu.memory_space<vmem>>) offsets(%dma_start3A_465 : memref<128xi32, #tpu.memory_space<vmem>>) semaphore(%arg13 : memref<!tpu.dma_semaphore, #tpu.memory_space<semaphore_mem>>)
      } else {
      }
      %mul3A_267 = arith.constant 6 : i32
      %mul3A_268 = arith.muli %mul3A_267, %scan3A_115 : i32
      %add3A_269 = arith.constant 3 : i32
      %add3A_270 = arith.addi %mul3A_268, %add3A_269 : i32
      %dma_wait3A_271 = arith.constant 0 : i32
      %dma_wait3A_272 = arith.constant 0 : i32
      %dma_wait3A_273 = tpu.memref_slice %arg5[%dma_wait3A_271, %dma_wait3A_272] : memref<26x512xi32, #tpu.memory_space<vmem>> -> memref<1x128xi32, #tpu.memory_space<vmem>>
      %dma_wait3A_274 = tpu.memref_squeeze %dma_wait3A_273 : memref<1x128xi32, #tpu.memory_space<vmem>> -> memref<128xi32, #tpu.memory_space<vmem>>
      %dma_wait3A_275 = arith.constant 0 : i32
      %dma_wait3A_276 = arith.constant 0 : i32
      %dma_wait3A_277 = tpu.memref_slice %arg3[%dma_wait3A_275, %dma_wait3A_276] : memref<100000x128xf32, #tpu.memory_space<hbm>> -> memref<100000x128xf32, #tpu.memory_space<hbm>>
      tpu.wait_indirect_dma semaphore(%arg15 : memref<!tpu.dma_semaphore, #tpu.memory_space<semaphore_mem>>) src(%dma_wait3A_277 : memref<100000x128xf32, #tpu.memory_space<hbm>>) dst(%arg9 : memref<128x128xf32, #tpu.memory_space<vmem>>)
      %jit3A_278 = arith.constant 4 : i32
      %div3A_279 = arith.divsi %add3A_270, %jit3A_278 : i32
      %sign3A_280 = arith.constant 0 : i32
      %sign3A_281 = arith.cmpi sgt, %add3A_270, %sign3A_280 : i32
      %sign3A_282 = arith.extui %sign3A_281 : i1 to i32
      %sign3A_283 = arith.constant 0 : i32
      %sign3A_284 = arith.cmpi slt, %add3A_270, %sign3A_283 : i32
      %sign3A_285 = arith.extui %sign3A_284 : i1 to i32
      %sign3A_286 = arith.subi %sign3A_282, %sign3A_285 : i32
      %sign3A_287 = arith.constant 0 : i32
      %sign3A_288 = arith.cmpi sgt, %jit3A_278, %sign3A_287 : i32
      %sign3A_289 = arith.extui %sign3A_288 : i1 to i32
      %sign3A_290 = arith.constant 0 : i32
      %sign3A_291 = arith.cmpi slt, %jit3A_278, %sign3A_290 : i32
      %sign3A_292 = arith.extui %sign3A_291 : i1 to i32
      %sign3A_293 = arith.subi %sign3A_289, %sign3A_292 : i32
      %ne3A_294 = arith.cmpi ne, %sign3A_286, %sign3A_293 : i32
      %rem3A_295 = arith.remsi %add3A_270, %jit3A_278 : i32
      %ne3A_296 = arith.constant 0 : i32
      %ne3A_297 = arith.cmpi ne, %rem3A_295, %ne3A_296 : i32
      %and3A_298 = arith.andi %ne3A_294, %ne3A_297 : i1
      %sub3A_299 = arith.constant 1 : i32
      %sub3A_300 = arith.subi %div3A_279, %sub3A_299 : i32
      %select_n3A_301 = arith.select %and3A_298, %sub3A_300, %div3A_279 : i32
      %mul3A_302 = arith.constant 4 : i32
      %mul3A_303 = arith.muli %select_n3A_301, %mul3A_302 : i32
      %sub3A_304 = arith.subi %add3A_270, %mul3A_303 : i32
      %mul3A_305 = arith.constant 128 : i32
      %mul3A_306 = arith.muli %sub3A_304, %mul3A_305 : i32
      %add3A_307 = arith.addi %mul3A_2, %mul3A_306 : i32
      %dma_start3A_308 = arith.constant 0 : i32
      %dma_start3A_309 = tpu.memref_slice %arg4[%select_n3A_301, %add3A_307, %dma_start3A_308] : memref<26x16384x128xf32, #tpu.memory_space<hbm>> -> memref<1x128x128xf32, #tpu.memory_space<hbm>>
      %dma_start3A_310 = tpu.memref_squeeze %dma_start3A_309 : memref<1x128x128xf32, #tpu.memory_space<hbm>> -> memref<128x128xf32, #tpu.memory_space<hbm>>
      %dma_start3A_311 = arith.constant 0 : i32
      %dma_start3A_312 = tpu.memref_slice %arg4[%select_n3A_301, %add3A_307, %dma_start3A_311] : memref<26x16384x128xf32, #tpu.memory_space<hbm>> -> memref<1x128x128xf32, #tpu.memory_space<hbm>>
      %dma_start3A_313 = tpu.memref_squeeze %dma_start3A_312 : memref<1x128x128xf32, #tpu.memory_space<hbm>> -> memref<128x128xf32, #tpu.memory_space<hbm>>
      tpu.enqueue_dma source(%arg9 : memref<128x128xf32, #tpu.memory_space<vmem>>) target(%dma_start3A_313 : memref<128x128xf32, #tpu.memory_space<hbm>>) target_semaphore(%arg21 : memref<!tpu.dma_semaphore, #tpu.memory_space<semaphore_mem>>)
      %add3A_314 = arith.constant 5 : i32
      %add3A_315 = arith.addi %add3A_270, %add3A_314 : i32
      %lt3A_316 = arith.constant 104 : i32
      %lt3A_317 = arith.cmpi slt, %add3A_315, %lt3A_316 : i32
      %convert_element_type3A_318 = arith.extui %lt3A_317 : i1 to i32
      %cond3A_319 = arith.constant 0 : i32
      %cond3A_320 = arith.cmpi ne, %convert_element_type3A_318, %cond3A_319 : i32
      scf.if %cond3A_320 {
        %sub3A_429 = arith.constant 6 : i32
        %sub3A_430 = arith.subi %add3A_315, %sub3A_429 : i32
        %ge3A = arith.constant 0 : i32
        %ge3A_431 = arith.cmpi sge, %sub3A_430, %ge3A : i32
        %convert_element_type3A_432 = arith.extui %ge3A_431 : i1 to i32
        %cond3A_433 = arith.constant 0 : i32
        %cond3A_434 = arith.cmpi ne, %convert_element_type3A_432, %cond3A_433 : i32
        scf.if %cond3A_434 {
          %dma_wait3A_469 = arith.constant 0 : i32
          %dma_wait3A_470 = arith.constant 0 : i32
          %dma_wait3A_471 = tpu.memref_slice %arg4[%dma_wait3A_469, %mul3A_2, %dma_wait3A_470] : memref<26x16384x128xf32, #tpu.memory_space<hbm>> -> memref<1x128x128xf32, #tpu.memory_space<hbm>>
          %dma_wait3A_472 = tpu.memref_squeeze %dma_wait3A_471 : memref<1x128x128xf32, #tpu.memory_space<hbm>> -> memref<128x128xf32, #tpu.memory_space<hbm>>
          %dma_wait3A_473 = arith.constant 0 : i32
          %dma_wait3A_474 = tpu.memref_slice %arg4[%dma_wait3A_469, %mul3A_2, %dma_wait3A_473] : memref<26x16384x128xf32, #tpu.memory_space<hbm>> -> memref<1x128x128xf32, #tpu.memory_space<hbm>>
          %dma_wait3A_475 = tpu.memref_squeeze %dma_wait3A_474 : memref<1x128x128xf32, #tpu.memory_space<hbm>> -> memref<128x128xf32, #tpu.memory_space<hbm>>
          tpu.wait_dma2 semaphore(%arg20 : memref<!tpu.dma_semaphore, #tpu.memory_space<semaphore_mem>>) src(%arg8 : memref<128x128xf32, #tpu.memory_space<vmem>>) dst(%dma_wait3A_475 : memref<128x128xf32, #tpu.memory_space<hbm>>)
        } else {
        }
        %jit3A_435 = arith.constant 4 : i32
        %div3A_436 = arith.divsi %add3A_315, %jit3A_435 : i32
        %sign3A_437 = arith.constant 0 : i32
        %sign3A_438 = arith.cmpi sgt, %add3A_315, %sign3A_437 : i32
        %sign3A_439 = arith.extui %sign3A_438 : i1 to i32
        %sign3A_440 = arith.constant 0 : i32
        %sign3A_441 = arith.cmpi slt, %add3A_315, %sign3A_440 : i32
        %sign3A_442 = arith.extui %sign3A_441 : i1 to i32
        %sign3A_443 = arith.subi %sign3A_439, %sign3A_442 : i32
        %sign3A_444 = arith.constant 0 : i32
        %sign3A_445 = arith.cmpi sgt, %jit3A_435, %sign3A_444 : i32
        %sign3A_446 = arith.extui %sign3A_445 : i1 to i32
        %sign3A_447 = arith.constant 0 : i32
        %sign3A_448 = arith.cmpi slt, %jit3A_435, %sign3A_447 : i32
        %sign3A_449 = arith.extui %sign3A_448 : i1 to i32
        %sign3A_450 = arith.subi %sign3A_446, %sign3A_449 : i32
        %ne3A_451 = arith.cmpi ne, %sign3A_443, %sign3A_450 : i32
        %rem3A_452 = arith.remsi %add3A_315, %jit3A_435 : i32
        %ne3A_453 = arith.constant 0 : i32
        %ne3A_454 = arith.cmpi ne, %rem3A_452, %ne3A_453 : i32
        %and3A_455 = arith.andi %ne3A_451, %ne3A_454 : i1
        %sub3A_456 = arith.constant 1 : i32
        %sub3A_457 = arith.subi %div3A_436, %sub3A_456 : i32
        %select_n3A_458 = arith.select %and3A_455, %sub3A_457, %div3A_436 : i32
        %mul3A_459 = arith.constant 4 : i32
        %mul3A_460 = arith.muli %select_n3A_458, %mul3A_459 : i32
        %sub3A_461 = arith.subi %add3A_315, %mul3A_460 : i32
        %mul3A_462 = arith.constant 128 : i32
        %mul3A_463 = arith.muli %sub3A_461, %mul3A_462 : i32
        %dma_start3A_464 = tpu.memref_slice %arg5[%select_n3A_458, %mul3A_463] : memref<26x512xi32, #tpu.memory_space<vmem>> -> memref<1x128xi32, #tpu.memory_space<vmem>>
        %dma_start3A_465 = tpu.memref_squeeze %dma_start3A_464 : memref<1x128xi32, #tpu.memory_space<vmem>> -> memref<128xi32, #tpu.memory_space<vmem>>
        %dma_start3A_466 = arith.constant 0 : i32
        %dma_start3A_467 = arith.constant 0 : i32
        %dma_start3A_468 = tpu.memref_slice %arg3[%dma_start3A_466, %dma_start3A_467] : memref<100000x128xf32, #tpu.memory_space<hbm>> -> memref<100000x128xf32, #tpu.memory_space<hbm>>
        tpu.enqueue_indirect_dma source(%dma_start3A_468 : memref<100000x128xf32, #tpu.memory_space<hbm>>) target(%arg8 : memref<128x128xf32, #tpu.memory_space<vmem>>) offsets(%dma_start3A_465 : memref<128xi32, #tpu.memory_space<vmem>>) semaphore(%arg14 : memref<!tpu.dma_semaphore, #tpu.memory_space<semaphore_mem>>)
      } else {
      }
      %mul3A_321 = arith.constant 6 : i32
      %mul3A_322 = arith.muli %mul3A_321, %scan3A_115 : i32
      %add3A_323 = arith.constant 4 : i32
      %add3A_324 = arith.addi %mul3A_322, %add3A_323 : i32
      %dma_wait3A_325 = arith.constant 0 : i32
      %dma_wait3A_326 = arith.constant 0 : i32
      %dma_wait3A_327 = tpu.memref_slice %arg5[%dma_wait3A_325, %dma_wait3A_326] : memref<26x512xi32, #tpu.memory_space<vmem>> -> memref<1x128xi32, #tpu.memory_space<vmem>>
      %dma_wait3A_328 = tpu.memref_squeeze %dma_wait3A_327 : memref<1x128xi32, #tpu.memory_space<vmem>> -> memref<128xi32, #tpu.memory_space<vmem>>
      %dma_wait3A_329 = arith.constant 0 : i32
      %dma_wait3A_330 = arith.constant 0 : i32
      %dma_wait3A_331 = tpu.memref_slice %arg3[%dma_wait3A_329, %dma_wait3A_330] : memref<100000x128xf32, #tpu.memory_space<hbm>> -> memref<100000x128xf32, #tpu.memory_space<hbm>>
      tpu.wait_indirect_dma semaphore(%arg16 : memref<!tpu.dma_semaphore, #tpu.memory_space<semaphore_mem>>) src(%dma_wait3A_331 : memref<100000x128xf32, #tpu.memory_space<hbm>>) dst(%arg10 : memref<128x128xf32, #tpu.memory_space<vmem>>)
      %jit3A_332 = arith.constant 4 : i32
      %div3A_333 = arith.divsi %add3A_324, %jit3A_332 : i32
      %sign3A_334 = arith.constant 0 : i32
      %sign3A_335 = arith.cmpi sgt, %add3A_324, %sign3A_334 : i32
      %sign3A_336 = arith.extui %sign3A_335 : i1 to i32
      %sign3A_337 = arith.constant 0 : i32
      %sign3A_338 = arith.cmpi slt, %add3A_324, %sign3A_337 : i32
      %sign3A_339 = arith.extui %sign3A_338 : i1 to i32
      %sign3A_340 = arith.subi %sign3A_336, %sign3A_339 : i32
      %sign3A_341 = arith.constant 0 : i32
      %sign3A_342 = arith.cmpi sgt, %jit3A_332, %sign3A_341 : i32
      %sign3A_343 = arith.extui %sign3A_342 : i1 to i32
      %sign3A_344 = arith.constant 0 : i32
      %sign3A_345 = arith.cmpi slt, %jit3A_332, %sign3A_344 : i32
      %sign3A_346 = arith.extui %sign3A_345 : i1 to i32
      %sign3A_347 = arith.subi %sign3A_343, %sign3A_346 : i32
      %ne3A_348 = arith.cmpi ne, %sign3A_340, %sign3A_347 : i32
      %rem3A_349 = arith.remsi %add3A_324, %jit3A_332 : i32
      %ne3A_350 = arith.constant 0 : i32
      %ne3A_351 = arith.cmpi ne, %rem3A_349, %ne3A_350 : i32
      %and3A_352 = arith.andi %ne3A_348, %ne3A_351 : i1
      %sub3A_353 = arith.constant 1 : i32
      %sub3A_354 = arith.subi %div3A_333, %sub3A_353 : i32
      %select_n3A_355 = arith.select %and3A_352, %sub3A_354, %div3A_333 : i32
      %mul3A_356 = arith.constant 4 : i32
      %mul3A_357 = arith.muli %select_n3A_355, %mul3A_356 : i32
      %sub3A_358 = arith.subi %add3A_324, %mul3A_357 : i32
      %mul3A_359 = arith.constant 128 : i32
      %mul3A_360 = arith.muli %sub3A_358, %mul3A_359 : i32
      %add3A_361 = arith.addi %mul3A_2, %mul3A_360 : i32
      %dma_start3A_362 = arith.constant 0 : i32
      %dma_start3A_363 = tpu.memref_slice %arg4[%select_n3A_355, %add3A_361, %dma_start3A_362] : memref<26x16384x128xf32, #tpu.memory_space<hbm>> -> memref<1x128x128xf32, #tpu.memory_space<hbm>>
      %dma_start3A_364 = tpu.memref_squeeze %dma_start3A_363 : memref<1x128x128xf32, #tpu.memory_space<hbm>> -> memref<128x128xf32, #tpu.memory_space<hbm>>
      %dma_start3A_365 = arith.constant 0 : i32
      %dma_start3A_366 = tpu.memref_slice %arg4[%select_n3A_355, %add3A_361, %dma_start3A_365] : memref<26x16384x128xf32, #tpu.memory_space<hbm>> -> memref<1x128x128xf32, #tpu.memory_space<hbm>>
      %dma_start3A_367 = tpu.memref_squeeze %dma_start3A_366 : memref<1x128x128xf32, #tpu.memory_space<hbm>> -> memref<128x128xf32, #tpu.memory_space<hbm>>
      tpu.enqueue_dma source(%arg10 : memref<128x128xf32, #tpu.memory_space<vmem>>) target(%dma_start3A_367 : memref<128x128xf32, #tpu.memory_space<hbm>>) target_semaphore(%arg22 : memref<!tpu.dma_semaphore, #tpu.memory_space<semaphore_mem>>)
      %add3A_368 = arith.constant 5 : i32
      %add3A_369 = arith.addi %add3A_324, %add3A_368 : i32
      %lt3A_370 = arith.constant 104 : i32
      %lt3A_371 = arith.cmpi slt, %add3A_369, %lt3A_370 : i32
      %convert_element_type3A_372 = arith.extui %lt3A_371 : i1 to i32
      %cond3A_373 = arith.constant 0 : i32
      %cond3A_374 = arith.cmpi ne, %convert_element_type3A_372, %cond3A_373 : i32
      scf.if %cond3A_374 {
        %sub3A_429 = arith.constant 6 : i32
        %sub3A_430 = arith.subi %add3A_369, %sub3A_429 : i32
        %ge3A = arith.constant 0 : i32
        %ge3A_431 = arith.cmpi sge, %sub3A_430, %ge3A : i32
        %convert_element_type3A_432 = arith.extui %ge3A_431 : i1 to i32
        %cond3A_433 = arith.constant 0 : i32
        %cond3A_434 = arith.cmpi ne, %convert_element_type3A_432, %cond3A_433 : i32
        scf.if %cond3A_434 {
          %dma_wait3A_469 = arith.constant 0 : i32
          %dma_wait3A_470 = arith.constant 0 : i32
          %dma_wait3A_471 = tpu.memref_slice %arg4[%dma_wait3A_469, %mul3A_2, %dma_wait3A_470] : memref<26x16384x128xf32, #tpu.memory_space<hbm>> -> memref<1x128x128xf32, #tpu.memory_space<hbm>>
          %dma_wait3A_472 = tpu.memref_squeeze %dma_wait3A_471 : memref<1x128x128xf32, #tpu.memory_space<hbm>> -> memref<128x128xf32, #tpu.memory_space<hbm>>
          %dma_wait3A_473 = arith.constant 0 : i32
          %dma_wait3A_474 = tpu.memref_slice %arg4[%dma_wait3A_469, %mul3A_2, %dma_wait3A_473] : memref<26x16384x128xf32, #tpu.memory_space<hbm>> -> memref<1x128x128xf32, #tpu.memory_space<hbm>>
          %dma_wait3A_475 = tpu.memref_squeeze %dma_wait3A_474 : memref<1x128x128xf32, #tpu.memory_space<hbm>> -> memref<128x128xf32, #tpu.memory_space<hbm>>
          tpu.wait_dma2 semaphore(%arg21 : memref<!tpu.dma_semaphore, #tpu.memory_space<semaphore_mem>>) src(%arg9 : memref<128x128xf32, #tpu.memory_space<vmem>>) dst(%dma_wait3A_475 : memref<128x128xf32, #tpu.memory_space<hbm>>)
        } else {
        }
        %jit3A_435 = arith.constant 4 : i32
        %div3A_436 = arith.divsi %add3A_369, %jit3A_435 : i32
        %sign3A_437 = arith.constant 0 : i32
        %sign3A_438 = arith.cmpi sgt, %add3A_369, %sign3A_437 : i32
        %sign3A_439 = arith.extui %sign3A_438 : i1 to i32
        %sign3A_440 = arith.constant 0 : i32
        %sign3A_441 = arith.cmpi slt, %add3A_369, %sign3A_440 : i32
        %sign3A_442 = arith.extui %sign3A_441 : i1 to i32
        %sign3A_443 = arith.subi %sign3A_439, %sign3A_442 : i32
        %sign3A_444 = arith.constant 0 : i32
        %sign3A_445 = arith.cmpi sgt, %jit3A_435, %sign3A_444 : i32
        %sign3A_446 = arith.extui %sign3A_445 : i1 to i32
        %sign3A_447 = arith.constant 0 : i32
        %sign3A_448 = arith.cmpi slt, %jit3A_435, %sign3A_447 : i32
        %sign3A_449 = arith.extui %sign3A_448 : i1 to i32
        %sign3A_450 = arith.subi %sign3A_446, %sign3A_449 : i32
        %ne3A_451 = arith.cmpi ne, %sign3A_443, %sign3A_450 : i32
        %rem3A_452 = arith.remsi %add3A_369, %jit3A_435 : i32
        %ne3A_453 = arith.constant 0 : i32
        %ne3A_454 = arith.cmpi ne, %rem3A_452, %ne3A_453 : i32
        %and3A_455 = arith.andi %ne3A_451, %ne3A_454 : i1
        %sub3A_456 = arith.constant 1 : i32
        %sub3A_457 = arith.subi %div3A_436, %sub3A_456 : i32
        %select_n3A_458 = arith.select %and3A_455, %sub3A_457, %div3A_436 : i32
        %mul3A_459 = arith.constant 4 : i32
        %mul3A_460 = arith.muli %select_n3A_458, %mul3A_459 : i32
        %sub3A_461 = arith.subi %add3A_369, %mul3A_460 : i32
        %mul3A_462 = arith.constant 128 : i32
        %mul3A_463 = arith.muli %sub3A_461, %mul3A_462 : i32
        %dma_start3A_464 = tpu.memref_slice %arg5[%select_n3A_458, %mul3A_463] : memref<26x512xi32, #tpu.memory_space<vmem>> -> memref<1x128xi32, #tpu.memory_space<vmem>>
        %dma_start3A_465 = tpu.memref_squeeze %dma_start3A_464 : memref<1x128xi32, #tpu.memory_space<vmem>> -> memref<128xi32, #tpu.memory_space<vmem>>
        %dma_start3A_466 = arith.constant 0 : i32
        %dma_start3A_467 = arith.constant 0 : i32
        %dma_start3A_468 = tpu.memref_slice %arg3[%dma_start3A_466, %dma_start3A_467] : memref<100000x128xf32, #tpu.memory_space<hbm>> -> memref<100000x128xf32, #tpu.memory_space<hbm>>
        tpu.enqueue_indirect_dma source(%dma_start3A_468 : memref<100000x128xf32, #tpu.memory_space<hbm>>) target(%arg9 : memref<128x128xf32, #tpu.memory_space<vmem>>) offsets(%dma_start3A_465 : memref<128xi32, #tpu.memory_space<vmem>>) semaphore(%arg15 : memref<!tpu.dma_semaphore, #tpu.memory_space<semaphore_mem>>)
      } else {
      }
      %mul3A_375 = arith.constant 6 : i32
      %mul3A_376 = arith.muli %mul3A_375, %scan3A_115 : i32
      %add3A_377 = arith.constant 5 : i32
      %add3A_378 = arith.addi %mul3A_376, %add3A_377 : i32
      %dma_wait3A_379 = arith.constant 0 : i32
      %dma_wait3A_380 = arith.constant 0 : i32
      %dma_wait3A_381 = tpu.memref_slice %arg5[%dma_wait3A_379, %dma_wait3A_380] : memref<26x512xi32, #tpu.memory_space<vmem>> -> memref<1x128xi32, #tpu.memory_space<vmem>>
      %dma_wait3A_382 = tpu.memref_squeeze %dma_wait3A_381 : memref<1x128xi32, #tpu.memory_space<vmem>> -> memref<128xi32, #tpu.memory_space<vmem>>
      %dma_wait3A_383 = arith.constant 0 : i32
      %dma_wait3A_384 = arith.constant 0 : i32
      %dma_wait3A_385 = tpu.memref_slice %arg3[%dma_wait3A_383, %dma_wait3A_384] : memref<100000x128xf32, #tpu.memory_space<hbm>> -> memref<100000x128xf32, #tpu.memory_space<hbm>>
      tpu.wait_indirect_dma semaphore(%arg17 : memref<!tpu.dma_semaphore, #tpu.memory_space<semaphore_mem>>) src(%dma_wait3A_385 : memref<100000x128xf32, #tpu.memory_space<hbm>>) dst(%arg11 : memref<128x128xf32, #tpu.memory_space<vmem>>)
      %jit3A_386 = arith.constant 4 : i32
      %div3A_387 = arith.divsi %add3A_378, %jit3A_386 : i32
      %sign3A_388 = arith.constant 0 : i32
      %sign3A_389 = arith.cmpi sgt, %add3A_378, %sign3A_388 : i32
      %sign3A_390 = arith.extui %sign3A_389 : i1 to i32
      %sign3A_391 = arith.constant 0 : i32
      %sign3A_392 = arith.cmpi slt, %add3A_378, %sign3A_391 : i32
      %sign3A_393 = arith.extui %sign3A_392 : i1 to i32
      %sign3A_394 = arith.subi %sign3A_390, %sign3A_393 : i32
      %sign3A_395 = arith.constant 0 : i32
      %sign3A_396 = arith.cmpi sgt, %jit3A_386, %sign3A_395 : i32
      %sign3A_397 = arith.extui %sign3A_396 : i1 to i32
      %sign3A_398 = arith.constant 0 : i32
      %sign3A_399 = arith.cmpi slt, %jit3A_386, %sign3A_398 : i32
      %sign3A_400 = arith.extui %sign3A_399 : i1 to i32
      %sign3A_401 = arith.subi %sign3A_397, %sign3A_400 : i32
      %ne3A_402 = arith.cmpi ne, %sign3A_394, %sign3A_401 : i32
      %rem3A_403 = arith.remsi %add3A_378, %jit3A_386 : i32
      %ne3A_404 = arith.constant 0 : i32
      %ne3A_405 = arith.cmpi ne, %rem3A_403, %ne3A_404 : i32
      %and3A_406 = arith.andi %ne3A_402, %ne3A_405 : i1
      %sub3A_407 = arith.constant 1 : i32
      %sub3A_408 = arith.subi %div3A_387, %sub3A_407 : i32
      %select_n3A_409 = arith.select %and3A_406, %sub3A_408, %div3A_387 : i32
      %mul3A_410 = arith.constant 4 : i32
      %mul3A_411 = arith.muli %select_n3A_409, %mul3A_410 : i32
      %sub3A_412 = arith.subi %add3A_378, %mul3A_411 : i32
      %mul3A_413 = arith.constant 128 : i32
      %mul3A_414 = arith.muli %sub3A_412, %mul3A_413 : i32
      %add3A_415 = arith.addi %mul3A_2, %mul3A_414 : i32
      %dma_start3A_416 = arith.constant 0 : i32
      %dma_start3A_417 = tpu.memref_slice %arg4[%select_n3A_409, %add3A_415, %dma_start3A_416] : memref<26x16384x128xf32, #tpu.memory_space<hbm>> -> memref<1x128x128xf32, #tpu.memory_space<hbm>>
      %dma_start3A_418 = tpu.memref_squeeze %dma_start3A_417 : memref<1x128x128xf32, #tpu.memory_space<hbm>> -> memref<128x128xf32, #tpu.memory_space<hbm>>
      %dma_start3A_419 = arith.constant 0 : i32
      %dma_start3A_420 = tpu.memref_slice %arg4[%select_n3A_409, %add3A_415, %dma_start3A_419] : memref<26x16384x128xf32, #tpu.memory_space<hbm>> -> memref<1x128x128xf32, #tpu.memory_space<hbm>>
      %dma_start3A_421 = tpu.memref_squeeze %dma_start3A_420 : memref<1x128x128xf32, #tpu.memory_space<hbm>> -> memref<128x128xf32, #tpu.memory_space<hbm>>
      tpu.enqueue_dma source(%arg11 : memref<128x128xf32, #tpu.memory_space<vmem>>) target(%dma_start3A_421 : memref<128x128xf32, #tpu.memory_space<hbm>>) target_semaphore(%arg23 : memref<!tpu.dma_semaphore, #tpu.memory_space<semaphore_mem>>)
      %add3A_422 = arith.constant 5 : i32
      %add3A_423 = arith.addi %add3A_378, %add3A_422 : i32
      %lt3A_424 = arith.constant 104 : i32
      %lt3A_425 = arith.cmpi slt, %add3A_423, %lt3A_424 : i32
      %convert_element_type3A_426 = arith.extui %lt3A_425 : i1 to i32
      %cond3A_427 = arith.constant 0 : i32
      %cond3A_428 = arith.cmpi ne, %convert_element_type3A_426, %cond3A_427 : i32
      scf.if %cond3A_428 {
        %sub3A_429 = arith.constant 6 : i32
        %sub3A_430 = arith.subi %add3A_423, %sub3A_429 : i32
        %ge3A = arith.constant 0 : i32
        %ge3A_431 = arith.cmpi sge, %sub3A_430, %ge3A : i32
        %convert_element_type3A_432 = arith.extui %ge3A_431 : i1 to i32
        %cond3A_433 = arith.constant 0 : i32
        %cond3A_434 = arith.cmpi ne, %convert_element_type3A_432, %cond3A_433 : i32
        scf.if %cond3A_434 {
          %dma_wait3A_469 = arith.constant 0 : i32
          %dma_wait3A_470 = arith.constant 0 : i32
          %dma_wait3A_471 = tpu.memref_slice %arg4[%dma_wait3A_469, %mul3A_2, %dma_wait3A_470] : memref<26x16384x128xf32, #tpu.memory_space<hbm>> -> memref<1x128x128xf32, #tpu.memory_space<hbm>>
          %dma_wait3A_472 = tpu.memref_squeeze %dma_wait3A_471 : memref<1x128x128xf32, #tpu.memory_space<hbm>> -> memref<128x128xf32, #tpu.memory_space<hbm>>
          %dma_wait3A_473 = arith.constant 0 : i32
          %dma_wait3A_474 = tpu.memref_slice %arg4[%dma_wait3A_469, %mul3A_2, %dma_wait3A_473] : memref<26x16384x128xf32, #tpu.memory_space<hbm>> -> memref<1x128x128xf32, #tpu.memory_space<hbm>>
          %dma_wait3A_475 = tpu.memref_squeeze %dma_wait3A_474 : memref<1x128x128xf32, #tpu.memory_space<hbm>> -> memref<128x128xf32, #tpu.memory_space<hbm>>
          tpu.wait_dma2 semaphore(%arg22 : memref<!tpu.dma_semaphore, #tpu.memory_space<semaphore_mem>>) src(%arg10 : memref<128x128xf32, #tpu.memory_space<vmem>>) dst(%dma_wait3A_475 : memref<128x128xf32, #tpu.memory_space<hbm>>)
        } else {
        }
        %jit3A_435 = arith.constant 4 : i32
        %div3A_436 = arith.divsi %add3A_423, %jit3A_435 : i32
        %sign3A_437 = arith.constant 0 : i32
        %sign3A_438 = arith.cmpi sgt, %add3A_423, %sign3A_437 : i32
        %sign3A_439 = arith.extui %sign3A_438 : i1 to i32
        %sign3A_440 = arith.constant 0 : i32
        %sign3A_441 = arith.cmpi slt, %add3A_423, %sign3A_440 : i32
        %sign3A_442 = arith.extui %sign3A_441 : i1 to i32
        %sign3A_443 = arith.subi %sign3A_439, %sign3A_442 : i32
        %sign3A_444 = arith.constant 0 : i32
        %sign3A_445 = arith.cmpi sgt, %jit3A_435, %sign3A_444 : i32
        %sign3A_446 = arith.extui %sign3A_445 : i1 to i32
        %sign3A_447 = arith.constant 0 : i32
        %sign3A_448 = arith.cmpi slt, %jit3A_435, %sign3A_447 : i32
        %sign3A_449 = arith.extui %sign3A_448 : i1 to i32
        %sign3A_450 = arith.subi %sign3A_446, %sign3A_449 : i32
        %ne3A_451 = arith.cmpi ne, %sign3A_443, %sign3A_450 : i32
        %rem3A_452 = arith.remsi %add3A_423, %jit3A_435 : i32
        %ne3A_453 = arith.constant 0 : i32
        %ne3A_454 = arith.cmpi ne, %rem3A_452, %ne3A_453 : i32
        %and3A_455 = arith.andi %ne3A_451, %ne3A_454 : i1
        %sub3A_456 = arith.constant 1 : i32
        %sub3A_457 = arith.subi %div3A_436, %sub3A_456 : i32
        %select_n3A_458 = arith.select %and3A_455, %sub3A_457, %div3A_436 : i32
        %mul3A_459 = arith.constant 4 : i32
        %mul3A_460 = arith.muli %select_n3A_458, %mul3A_459 : i32
        %sub3A_461 = arith.subi %add3A_423, %mul3A_460 : i32
        %mul3A_462 = arith.constant 128 : i32
        %mul3A_463 = arith.muli %sub3A_461, %mul3A_462 : i32
        %dma_start3A_464 = tpu.memref_slice %arg5[%select_n3A_458, %mul3A_463] : memref<26x512xi32, #tpu.memory_space<vmem>> -> memref<1x128xi32, #tpu.memory_space<vmem>>
        %dma_start3A_465 = tpu.memref_squeeze %dma_start3A_464 : memref<1x128xi32, #tpu.memory_space<vmem>> -> memref<128xi32, #tpu.memory_space<vmem>>
        %dma_start3A_466 = arith.constant 0 : i32
        %dma_start3A_467 = arith.constant 0 : i32
        %dma_start3A_468 = tpu.memref_slice %arg3[%dma_start3A_466, %dma_start3A_467] : memref<100000x128xf32, #tpu.memory_space<hbm>> -> memref<100000x128xf32, #tpu.memory_space<hbm>>
        tpu.enqueue_indirect_dma source(%dma_start3A_468 : memref<100000x128xf32, #tpu.memory_space<hbm>>) target(%arg10 : memref<128x128xf32, #tpu.memory_space<vmem>>) offsets(%dma_start3A_465 : memref<128xi32, #tpu.memory_space<vmem>>) semaphore(%arg16 : memref<!tpu.dma_semaphore, #tpu.memory_space<semaphore_mem>>)
      } else {
      }
    }
    %scan3A_41 = arith.constant 17 : i32
    %dma_wait3A = arith.constant 0 : i32
    %dma_wait3A_42 = arith.constant 0 : i32
    %dma_wait3A_43 = tpu.memref_slice %arg5[%dma_wait3A, %dma_wait3A_42] : memref<26x512xi32, #tpu.memory_space<vmem>> -> memref<1x128xi32, #tpu.memory_space<vmem>>
    %dma_wait3A_44 = tpu.memref_squeeze %dma_wait3A_43 : memref<1x128xi32, #tpu.memory_space<vmem>> -> memref<128xi32, #tpu.memory_space<vmem>>
    %dma_wait3A_45 = arith.constant 0 : i32
    %dma_wait3A_46 = arith.constant 0 : i32
    %dma_wait3A_47 = tpu.memref_slice %arg3[%dma_wait3A_45, %dma_wait3A_46] : memref<100000x128xf32, #tpu.memory_space<hbm>> -> memref<100000x128xf32, #tpu.memory_space<hbm>>
    tpu.wait_indirect_dma semaphore(%arg12 : memref<!tpu.dma_semaphore, #tpu.memory_space<semaphore_mem>>) src(%dma_wait3A_47 : memref<100000x128xf32, #tpu.memory_space<hbm>>) dst(%arg6 : memref<128x128xf32, #tpu.memory_space<vmem>>)
    %add3A_48 = arith.constant 256 : i32
    %add3A_49 = arith.addi %mul3A_2, %add3A_48 : i32
    %dma_start3A_50 = arith.constant 25 : i32
    %dma_start3A_51 = arith.constant 0 : i32
    %dma_start3A_52 = tpu.memref_slice %arg4[%dma_start3A_50, %add3A_49, %dma_start3A_51] : memref<26x16384x128xf32, #tpu.memory_space<hbm>> -> memref<1x128x128xf32, #tpu.memory_space<hbm>>
    %dma_start3A_53 = tpu.memref_squeeze %dma_start3A_52 : memref<1x128x128xf32, #tpu.memory_space<hbm>> -> memref<128x128xf32, #tpu.memory_space<hbm>>
    %dma_start3A_54 = arith.constant 0 : i32
    %dma_start3A_55 = tpu.memref_slice %arg4[%dma_start3A_50, %add3A_49, %dma_start3A_54] : memref<26x16384x128xf32, #tpu.memory_space<hbm>> -> memref<1x128x128xf32, #tpu.memory_space<hbm>>
    %dma_start3A_56 = tpu.memref_squeeze %dma_start3A_55 : memref<1x128x128xf32, #tpu.memory_space<hbm>> -> memref<128x128xf32, #tpu.memory_space<hbm>>
    tpu.enqueue_dma source(%arg6 : memref<128x128xf32, #tpu.memory_space<vmem>>) target(%dma_start3A_56 : memref<128x128xf32, #tpu.memory_space<hbm>>) target_semaphore(%arg18 : memref<!tpu.dma_semaphore, #tpu.memory_space<semaphore_mem>>)
    %dma_wait3A_57 = arith.constant 0 : i32
    %dma_wait3A_58 = arith.constant 0 : i32
    %dma_wait3A_59 = tpu.memref_slice %arg5[%dma_wait3A_57, %dma_wait3A_58] : memref<26x512xi32, #tpu.memory_space<vmem>> -> memref<1x128xi32, #tpu.memory_space<vmem>>
    %dma_wait3A_60 = tpu.memref_squeeze %dma_wait3A_59 : memref<1x128xi32, #tpu.memory_space<vmem>> -> memref<128xi32, #tpu.memory_space<vmem>>
    %dma_wait3A_61 = arith.constant 0 : i32
    %dma_wait3A_62 = arith.constant 0 : i32
    %dma_wait3A_63 = tpu.memref_slice %arg3[%dma_wait3A_61, %dma_wait3A_62] : memref<100000x128xf32, #tpu.memory_space<hbm>> -> memref<100000x128xf32, #tpu.memory_space<hbm>>
    tpu.wait_indirect_dma semaphore(%arg13 : memref<!tpu.dma_semaphore, #tpu.memory_space<semaphore_mem>>) src(%dma_wait3A_63 : memref<100000x128xf32, #tpu.memory_space<hbm>>) dst(%arg7 : memref<128x128xf32, #tpu.memory_space<vmem>>)
    %add3A_64 = arith.constant 384 : i32
    %add3A_65 = arith.addi %mul3A_2, %add3A_64 : i32
    %dma_start3A_66 = arith.constant 25 : i32
    %dma_start3A_67 = arith.constant 0 : i32
    %dma_start3A_68 = tpu.memref_slice %arg4[%dma_start3A_66, %add3A_65, %dma_start3A_67] : memref<26x16384x128xf32, #tpu.memory_space<hbm>> -> memref<1x128x128xf32, #tpu.memory_space<hbm>>
    %dma_start3A_69 = tpu.memref_squeeze %dma_start3A_68 : memref<1x128x128xf32, #tpu.memory_space<hbm>> -> memref<128x128xf32, #tpu.memory_space<hbm>>
    %dma_start3A_70 = arith.constant 0 : i32
    %dma_start3A_71 = tpu.memref_slice %arg4[%dma_start3A_66, %add3A_65, %dma_start3A_70] : memref<26x16384x128xf32, #tpu.memory_space<hbm>> -> memref<1x128x128xf32, #tpu.memory_space<hbm>>
    %dma_start3A_72 = tpu.memref_squeeze %dma_start3A_71 : memref<1x128x128xf32, #tpu.memory_space<hbm>> -> memref<128x128xf32, #tpu.memory_space<hbm>>
    tpu.enqueue_dma source(%arg7 : memref<128x128xf32, #tpu.memory_space<vmem>>) target(%dma_start3A_72 : memref<128x128xf32, #tpu.memory_space<hbm>>) target_semaphore(%arg19 : memref<!tpu.dma_semaphore, #tpu.memory_space<semaphore_mem>>)
    %dma_wait3A_73 = arith.constant 0 : i32
    %dma_wait3A_74 = arith.constant 0 : i32
    %dma_wait3A_75 = tpu.memref_slice %arg4[%dma_wait3A_73, %mul3A_2, %dma_wait3A_74] : memref<26x16384x128xf32, #tpu.memory_space<hbm>> -> memref<1x128x128xf32, #tpu.memory_space<hbm>>
    %dma_wait3A_76 = tpu.memref_squeeze %dma_wait3A_75 : memref<1x128x128xf32, #tpu.memory_space<hbm>> -> memref<128x128xf32, #tpu.memory_space<hbm>>
    %dma_wait3A_77 = arith.constant 0 : i32
    %dma_wait3A_78 = tpu.memref_slice %arg4[%dma_wait3A_73, %mul3A_2, %dma_wait3A_77] : memref<26x16384x128xf32, #tpu.memory_space<hbm>> -> memref<1x128x128xf32, #tpu.memory_space<hbm>>
    %dma_wait3A_79 = tpu.memref_squeeze %dma_wait3A_78 : memref<1x128x128xf32, #tpu.memory_space<hbm>> -> memref<128x128xf32, #tpu.memory_space<hbm>>
    tpu.wait_dma2 semaphore(%arg18 : memref<!tpu.dma_semaphore, #tpu.memory_space<semaphore_mem>>) src(%arg6 : memref<128x128xf32, #tpu.memory_space<vmem>>) dst(%dma_wait3A_79 : memref<128x128xf32, #tpu.memory_space<hbm>>)
    %dma_wait3A_80 = arith.constant 0 : i32
    %dma_wait3A_81 = arith.constant 0 : i32
    %dma_wait3A_82 = tpu.memref_slice %arg4[%dma_wait3A_80, %mul3A_2, %dma_wait3A_81] : memref<26x16384x128xf32, #tpu.memory_space<hbm>> -> memref<1x128x128xf32, #tpu.memory_space<hbm>>
    %dma_wait3A_83 = tpu.memref_squeeze %dma_wait3A_82 : memref<1x128x128xf32, #tpu.memory_space<hbm>> -> memref<128x128xf32, #tpu.memory_space<hbm>>
    %dma_wait3A_84 = arith.constant 0 : i32
    %dma_wait3A_85 = tpu.memref_slice %arg4[%dma_wait3A_80, %mul3A_2, %dma_wait3A_84] : memref<26x16384x128xf32, #tpu.memory_space<hbm>> -> memref<1x128x128xf32, #tpu.memory_space<hbm>>
    %dma_wait3A_86 = tpu.memref_squeeze %dma_wait3A_85 : memref<1x128x128xf32, #tpu.memory_space<hbm>> -> memref<128x128xf32, #tpu.memory_space<hbm>>
    tpu.wait_dma2 semaphore(%arg19 : memref<!tpu.dma_semaphore, #tpu.memory_space<semaphore_mem>>) src(%arg7 : memref<128x128xf32, #tpu.memory_space<vmem>>) dst(%dma_wait3A_86 : memref<128x128xf32, #tpu.memory_space<hbm>>)
    %dma_wait3A_87 = arith.constant 0 : i32
    %dma_wait3A_88 = arith.constant 0 : i32
    %dma_wait3A_89 = tpu.memref_slice %arg4[%dma_wait3A_87, %mul3A_2, %dma_wait3A_88] : memref<26x16384x128xf32, #tpu.memory_space<hbm>> -> memref<1x128x128xf32, #tpu.memory_space<hbm>>
    %dma_wait3A_90 = tpu.memref_squeeze %dma_wait3A_89 : memref<1x128x128xf32, #tpu.memory_space<hbm>> -> memref<128x128xf32, #tpu.memory_space<hbm>>
    %dma_wait3A_91 = arith.constant 0 : i32
    %dma_wait3A_92 = tpu.memref_slice %arg4[%dma_wait3A_87, %mul3A_2, %dma_wait3A_91] : memref<26x16384x128xf32, #tpu.memory_space<hbm>> -> memref<1x128x128xf32, #tpu.memory_space<hbm>>
    %dma_wait3A_93 = tpu.memref_squeeze %dma_wait3A_92 : memref<1x128x128xf32, #tpu.memory_space<hbm>> -> memref<128x128xf32, #tpu.memory_space<hbm>>
    tpu.wait_dma2 semaphore(%arg20 : memref<!tpu.dma_semaphore, #tpu.memory_space<semaphore_mem>>) src(%arg8 : memref<128x128xf32, #tpu.memory_space<vmem>>) dst(%dma_wait3A_93 : memref<128x128xf32, #tpu.memory_space<hbm>>)
    %dma_wait3A_94 = arith.constant 0 : i32
    %dma_wait3A_95 = arith.constant 0 : i32
    %dma_wait3A_96 = tpu.memref_slice %arg4[%dma_wait3A_94, %mul3A_2, %dma_wait3A_95] : memref<26x16384x128xf32, #tpu.memory_space<hbm>> -> memref<1x128x128xf32, #tpu.memory_space<hbm>>
    %dma_wait3A_97 = tpu.memref_squeeze %dma_wait3A_96 : memref<1x128x128xf32, #tpu.memory_space<hbm>> -> memref<128x128xf32, #tpu.memory_space<hbm>>
    %dma_wait3A_98 = arith.constant 0 : i32
    %dma_wait3A_99 = tpu.memref_slice %arg4[%dma_wait3A_94, %mul3A_2, %dma_wait3A_98] : memref<26x16384x128xf32, #tpu.memory_space<hbm>> -> memref<1x128x128xf32, #tpu.memory_space<hbm>>
    %dma_wait3A_100 = tpu.memref_squeeze %dma_wait3A_99 : memref<1x128x128xf32, #tpu.memory_space<hbm>> -> memref<128x128xf32, #tpu.memory_space<hbm>>
    tpu.wait_dma2 semaphore(%arg21 : memref<!tpu.dma_semaphore, #tpu.memory_space<semaphore_mem>>) src(%arg9 : memref<128x128xf32, #tpu.memory_space<vmem>>) dst(%dma_wait3A_100 : memref<128x128xf32, #tpu.memory_space<hbm>>)
    %dma_wait3A_101 = arith.constant 0 : i32
    %dma_wait3A_102 = arith.constant 0 : i32
    %dma_wait3A_103 = tpu.memref_slice %arg4[%dma_wait3A_101, %mul3A_2, %dma_wait3A_102] : memref<26x16384x128xf32, #tpu.memory_space<hbm>> -> memref<1x128x128xf32, #tpu.memory_space<hbm>>
    %dma_wait3A_104 = tpu.memref_squeeze %dma_wait3A_103 : memref<1x128x128xf32, #tpu.memory_space<hbm>> -> memref<128x128xf32, #tpu.memory_space<hbm>>
    %dma_wait3A_105 = arith.constant 0 : i32
    %dma_wait3A_106 = tpu.memref_slice %arg4[%dma_wait3A_101, %mul3A_2, %dma_wait3A_105] : memref<26x16384x128xf32, #tpu.memory_space<hbm>> -> memref<1x128x128xf32, #tpu.memory_space<hbm>>
    %dma_wait3A_107 = tpu.memref_squeeze %dma_wait3A_106 : memref<1x128x128xf32, #tpu.memory_space<hbm>> -> memref<128x128xf32, #tpu.memory_space<hbm>>
    tpu.wait_dma2 semaphore(%arg22 : memref<!tpu.dma_semaphore, #tpu.memory_space<semaphore_mem>>) src(%arg10 : memref<128x128xf32, #tpu.memory_space<vmem>>) dst(%dma_wait3A_107 : memref<128x128xf32, #tpu.memory_space<hbm>>)
    %dma_wait3A_108 = arith.constant 0 : i32
    %dma_wait3A_109 = arith.constant 0 : i32
    %dma_wait3A_110 = tpu.memref_slice %arg4[%dma_wait3A_108, %mul3A_2, %dma_wait3A_109] : memref<26x16384x128xf32, #tpu.memory_space<hbm>> -> memref<1x128x128xf32, #tpu.memory_space<hbm>>
    %dma_wait3A_111 = tpu.memref_squeeze %dma_wait3A_110 : memref<1x128x128xf32, #tpu.memory_space<hbm>> -> memref<128x128xf32, #tpu.memory_space<hbm>>
    %dma_wait3A_112 = arith.constant 0 : i32
    %dma_wait3A_113 = tpu.memref_slice %arg4[%dma_wait3A_108, %mul3A_2, %dma_wait3A_112] : memref<26x16384x128xf32, #tpu.memory_space<hbm>> -> memref<1x128x128xf32, #tpu.memory_space<hbm>>
    %dma_wait3A_114 = tpu.memref_squeeze %dma_wait3A_113 : memref<1x128x128xf32, #tpu.memory_space<hbm>> -> memref<128x128xf32, #tpu.memory_space<hbm>>
    tpu.wait_dma2 semaphore(%arg23 : memref<!tpu.dma_semaphore, #tpu.memory_space<semaphore_mem>>) src(%arg11 : memref<128x128xf32, #tpu.memory_space<vmem>>) dst(%dma_wait3A_114 : memref<128x128xf32, #tpu.memory_space<hbm>>)
    return
  }
}

</mosaic_0001>

<sc_bundles>
// kernel: kernel.3.cloned.1.call-start
scs
__scs_entry_jumppad:
0x0: {  	(pc) =	sbr.rel $0x88, $3  }
0x1: {  	(tag) =	ssettag $0x0;
	lr =	simm.s32 $0x1  }
0x2: {  	[smem:$0x3F9F] =	sst lr;
	_ =	strace $0xD0000000  }
0x3: {  	_ = 	snop  }
0x4: {  	_ = 	snop  }
0x5: {  	_ = 	snop  }
0x6: {  	_ = 	snop  }
0x7: {  	_ = 	snop  }
__scs_overlays_trampoline_lowered:
0x8: {  	[smem:$0x3FAE] =	sst s0  }
0x9: {  	[smem:$0x3FAF] =	sst s1  }
0xa: {  	[smem:$0x3FB0] =	sst s2  }
0xb: {  	[smem:$0x3FB1] =	sst s3  }
0xc: {  	[smem:$0x3FB2] =	sst s4  }
0xd: {  	[smem:$0x3FB3] =	sst s5  }
0xe: {  	[smem:$0x3FB4] =	sst s6  }
0xf: {  	[smem:$0x3FB5] =	sst s7  }
0x10: {  	[smem:$0x3FB6] =	sst s8  }
0x11: {  	[smem:$0x3FB7] =	sst s9;
	s0 =	simm.s32 @!p0 $0x0  }
0x12: {  	s1 =	sld [smem:$0x3F9D];
	s0 =	simm.s32 @p0 $0x1  }
0x13: {  	[smem:$0x3FB8] =	sst s0;
	s0 =	simm.s32 @!p1 $0x0  }
0x14: {  	s2 =	sld [smem:$0x3F9C];
	s0 =	simm.s32 @p1 $0x1  }
0x15: {  	[smem:$0x3FB9] =	sst s0;
	s0 =	simm.s32 @!p2 $0x0  }
0x16: {  	s3 =	sld [smem:$0x3FDB];
	s0 =	simm.s32 @p2 $0x1  }
0x17: {  	s4 =	simm.s32 $0x1BF5;
	[smem:$0x3FBB] =	sst s0  }
0x18: {  	s0 =	sld [smem:$0x3F9E];
	_ =	swait.ge [sflag:s4], $0x0  }
0x19: {  	s7 =	sld [smem:$0x3F9F]  }
0x1a: {  	s8 =	sadd.s32 $0xFFFFE003, lr  }
0x1b: {  	s9 =	sadd.s32 $0xFFFFFEF7, lr;
	s5 =	simm.s32 $0xFFFFFFFF;
	p2 =	slt.u32 s8, $0xFFFFF086  }
0x1c: {  	p1 =	slt.u32 s9, $0xF7A;
	s5 =	simm.s32 @!p2 $0x0  }
0x1d: {  	s5 =	simm.s32 @p1 $0x1;
	p0 =	seq.s32 s7, s2  }
0x1e: {  	s7 =	smul.u32 @!p0 $0xF7A, s2;
	p2 =	seq.s32 @!p0 s5, $0x0  }
0x1f: {  	s9 =	smul.u32 $0xF7A, s1;
	s8 =	simm.s32 @!p0 $0x1BF5;
	p2 =	por !p2, p0  }
0x20: {  	[sflag:s8] =	ssyncset.s32 @!p0 $0xFFFFF086;
	s6 =	sadd.s32 @!p0 s3, s7;
	s7 =	simm.s32 @!p0 $0x108  }
0x21: {  	s3 =	sadd.s32 s3, s9;
	s6 =	sadd.s32 @!p0 $0x88, s6;
	s7 =	simm.s32 @p2 $0x1082  }
0x22: {  	[simem:s7], [sflag:s8] =	dma.local @!p0 [hbm:s6], $0xF7A  }
0x23: {  	s9 =	sor.u32 $0xD0000000, s2;
	s6 =	simm.s32 $0x108;
	_ =	swait.ge @!p0 [sflag:s8], $0x0  }
0x24: {  	s3 =	sadd.s32 $0x88, s3;
	s6 =	simm.s32 @!p1 $0x1082;
	[sflag:s4] =	ssyncset.s32 $0xFFFFF086  }
0x25: {  	[simem:s6], [sflag:s4] =	dma.local [hbm:s3], $0xF7A  }
0x26: {  	[smem:$0x3F9F] =	sst s1;
	(tag) =	ssettag s2;
	_ =	strace s9  }
0x27: {  	s1 =	sld [smem:$0x3FAF]  }
0x28: {  	s2 =	sld [smem:$0x3FB0]  }
0x29: {  	s4 =	sld [smem:$0x3FB2]  }
0x2a: {  	p0 =	seq.s32 s5, $0x0;
	s5 =	sld [smem:$0x3FB3]  }
0x2b: {  	s6 =	sld [smem:$0x3FB4]  }
0x2c: {  	s7 =	sld [smem:$0x3FB5]  }
0x2d: {  	s3 =	simm.s32 $0x108;
	s8 =	sld [smem:$0x3FB6]  }
0x2e: {  	s3 =	simm.s32 @!p0 $0x1082;
	s9 =	sld [smem:$0x3FB7]  }
0x2f: {  	lr =	sadd.s32 s0, s3;
	s0 =	sld [smem:$0x3FAE]  }
0x30: {  	s3 =	sld [smem:$0x3FB1]  }
0x31: {  	[smem:$0x3FBA] =	sst s10  }
0x32: {  	s10 =	sld [smem:$0x3FB8];
	_ =	sdelay $0x3  }
0x33: {  	p0 =	seq.s32 s10, $0x1;
	s10 =	sld [smem:$0x3FBA];
	_ =	sdelay $0x3  }
0x34: {  	[smem:$0x3FBA] =	sst s10  }
0x35: {  	s10 =	sld [smem:$0x3FB9];
	_ =	sdelay $0x3  }
0x36: {  	p1 =	seq.s32 s10, $0x1;
	s10 =	sld [smem:$0x3FBA];
	_ =	sdelay $0x3  }
0x37: {  	[smem:$0x3FBA] =	sst s10  }
0x38: {  	s10 =	sld [smem:$0x3FBB]  }
0x39: {  	_ = 	snop;
	(pc) =	sbr.ind lr, $3  }
0x3a: {  	_ = 	snop  }
0x3b: {  	_ = 	snop  }
0x3c: {  	p2 =	seq.s32 s10, $0x1;
	s10 =	sld [smem:$0x3FBA]  }
0x3d: {  	_ =	shalt  }
0x3e: {  	_ =	shalt  }
0x3f: {  	_ =	shalt  }
0x40: {  	_ =	shalt  }
0x41: {  	_ =	shalt  }
0x42: {  	_ =	shalt  }
0x43: {  	_ =	shalt  }
0x44: {  	_ =	shalt  }
0x45: {  	_ =	shalt  }
0x46: {  	_ =	shalt  }
0x47: {  	_ =	shalt  }
0x48: {  	_ =	shalt  }
0x49: {  	_ =	shalt  }
0x4a: {  	_ =	shalt  }
0x4b: {  	_ =	shalt  }
0x4c: {  	_ =	shalt  }
0x4d: {  	_ =	shalt  }
0x4e: {  	_ =	shalt  }
0x4f: {  	_ =	shalt  }
0x50: {  	_ =	shalt  }
0x51: {  	_ =	shalt  }
0x52: {  	_ =	shalt  }
0x53: {  	_ =	shalt  }
0x54: {  	_ =	shalt  }
0x55: {  	_ =	shalt  }
0x56: {  	_ =	shalt  }
0x57: {  	_ =	shalt  }
0x58: {  	_ =	shalt  }
0x59: {  	_ =	shalt  }
0x5a: {  	_ =	shalt  }
0x5b: {  	_ =	shalt  }
0x5c: {  	_ =	shalt  }
0x5d: {  	_ =	shalt  }
0x5e: {  	_ =	shalt  }
0x5f: {  	_ =	shalt  }
0x60: {  	_ =	shalt  }
0x61: {  	_ =	shalt  }
0x62: {  	_ =	shalt  }
0x63: {  	_ =	shalt  }
0x64: {  	_ =	shalt  }
0x65: {  	_ =	shalt  }
0x66: {  	_ =	shalt  }
0x67: {  	_ =	shalt  }
0x68: {  	_ =	shalt  }
0x69: {  	_ =	shalt  }
0x6a: {  	_ =	shalt  }
0x6b: {  	_ =	shalt  }
0x6c: {  	_ =	shalt  }
0x6d: {  	_ =	shalt  }
0x6e: {  	_ =	shalt  }
0x6f: {  	_ =	shalt  }
0x70: {  	_ =	shalt  }
0x71: {  	_ =	shalt  }
0x72: {  	_ =	shalt  }
0x73: {  	_ =	shalt  }
0x74: {  	_ =	shalt  }
0x75: {  	_ =	shalt  }
0x76: {  	_ =	shalt  }
0x77: {  	_ =	shalt  }
0x78: {  	_ =	shalt  }
0x79: {  	_ =	shalt  }
0x7a: {  	_ =	shalt  }
0x7b: {  	_ =	shalt  }
0x7c: {  	_ =	shalt  }
0x7d: {  	_ =	shalt  }
0x7e: {  	_ =	shalt  }
0x7f: {  	_ =	shalt  }
0x80: {  	_ =	shalt  }
0x81: {  	_ =	shalt  }
0x82: {  	_ =	shalt  }
0x83: {  	_ =	shalt  }
0x84: {  	_ =	shalt  }
0x85: {  	_ =	shalt  }
0x86: {  	_ =	shalt  }
0x87: {  	_ =	shalt  }
.Lfunc_end0:
.L_simem_size_0:
called_computation_lowered:
.L_overlay_start_0:
0x88: {  	s2 =	sld [smem:$0x3FD9]  }
0x89: {  	s3 =	sld [smem:$0x3FFE];
	_ =	sdelay $0x1  }
0x8a: {  	s1 =	srdreg.scid  }
0x8b: {  	s0 =	sand.u32 $0x1, s1  }
0x8c: {  	s18 =	sshll.u32 s0, $0xA;
	s2 =	sadd.s32 s3, s2  }
0x8d: {  	s2 =	sadd.s32 s2, s18  }
0x8e: {  	[smem:$0x3FC6] =	sst s2  }
0x8f: {  	_ = 	snop  }
0x90: {  	s2 =	sld [smem:$0x3FC9]  }
0x91: {  	s19 =	sld [smem:$0x3FC8]  }
0x92: {  	s4 =	sld [smem:$0x3FD0];
	(tm) =	ssettm $0x1  }
0x93: {  	s5 =	sld [smem:$0x3FFB];
	_ =	sdelay $0x3  }
0x94: {  	_ =	strace s5  }
0x95: {  	s5 =	sld [smem:$0x3FFC];
	_ =	sdelay $0x3  }
0x96: {  	_ =	strace s5  }
0x97: {  	s5 =	sld [smem:$0x3FFD];
	_ =	sdelay $0x3  }
0x98: {  	_ =	strace s5  }
0x99: {  	_ =	strace $0x8FFFFFFF  }
0x9a: {  	s20 =	sld [smem:$0x3FDB];
	_ =	sdelay $0x1  }
0x9b: {  	s6 =	simm.s32 $_scs_section_size  }
0x9c: {  	s7 =	simm.s32 $_size__tile_overlayer_lowered;
	s8 =	simm.s32 $_tile_overlayer_lowered  }
0x9d: {  	s23 =	simm.s32 $0x1BFF;
	s22 =	sshll.u32 s8, $0x1;
	s5 =	sadd.s32 s6, s20  }
0x9e: {  	s9 =	simm.s32 $0x0;
	s21 =	sshll.u32 s7, $0x1;
	s7 =	sadd.s32 s22, s5  }
0x9f: {  	[timem:s9], [sflag:s23] =	dma.local [hbm:s7], s21  }
0xa0: {  	_ =	swait.ge [sflag:s23], s21  }
0xa1: {  	s6 =	ssub.s32 $0x0, s21;
	[sflag:s23] =	ssyncset.done $0x0  }
0xa2: {  	[sflag:s23] =	ssyncadd.s32 s6;
	_ =	sdelay $0x1  }
0xa3: {  	s24 =	simm.s32 $0x1B8B  }
0xa4: {  	_ =	swait.ge [sflag:s24], $0x1  }
0xa5: {  	[sflag:s24] =	ssyncset.done $0x0  }
0xa6: {  	s25 =	simm.s32 $0x1B8E;
	[sflag:s24] =	ssyncadd.s32 $0xFFFFFFFF  }
0xa7: {  	s26 =	simm.s32 $execute0_lowered;
	[smem:$0x3FD2] =	sst s25  }
0xa8: {  	s6 =	sshll.u32 s26, $0x1;
	_ =	strace $0x80000046;
	[dreg:$0x1] =	wrdreg $0xFFFFFFFF  }
0xa9: {  	s28 =	simm.s32 $_size_execute0_lowered;
	s5 =	sadd.s32 s5, s6;
	[dreg:$0x0] =	wrdreg $0x0  }
0xaa: {  	s6 =	sshll.u32 s28, $0x1;
	[dreg:$0x2] =	wrdreg s5  }
0xab: {  	[dreg:$0x3] =	wrdreg s6  }
0xac: {  	[dreg:$0x4] =	wrdreg $0xC0  }
0xad: {  	_ =	task [dreg:s9], $0x5FFFF  }
0xae: {  	[dreg:$0x1] =	wrdreg $0xFFFFFFFF  }
0xaf: {  	[dreg:$0x0] =	wrdreg $0x60  }
0xb0: {  	[dreg:$0x2] =	wrdreg s2  }
0xb1: {  	[dreg:$0x3] =	wrdreg s19  }
0xb2: {  	[dreg:$0x4] =	wrdreg s4  }
0xb3: {  	[dreg:$0x5] =	wrdreg $0x9  }
0xb4: {  	_ =	task.clear_ibuf [dreg:s9], $0x6FFFF;
	_ =	strace $0x90000046  }
0xb5: {  	s29 =	simm.s32 $0x9;
	_ =	strace $0x80000048  }
0xb6: {  	_ =	swait.ge [sflag:s29], $0x1  }
0xb7: {  	[sflag:s29] =	ssyncadd.s32 $0xFFFFFFFF  }
0xb8: {  	_ =	strace $0x90000048  }
0xb9: {  	_ =	sfence  }
0xba: {  	s30 =	sld [smem:$0x0];
	_ =	sdelay $0x2  }
0xbb: {  	s31 =	sshll.u32 s1, $0xD;
	s1 =	sshrl.u32 s1, $0x2  }
0xbc: {  	s3 =	sand.u32 $0x4000, s31;
	s1 =	sadd.s32 s1, s30  }
0xbd: {  	s0 =	sor.u32 s3, s0;
	s1 =	sshll.u32 s1, $0x11  }
0xbe: {  	s0 =	sor.u32 s1, s0  }
0xbf: {  	s0 =	sadd.s32 $0x8F2B, s0  }
0xc0: {  	[sflag:s0] =	ssyncadd.remote.s32 $0x1  }
0xc1: {  	_ =	sfence.sel $0xFFFF  }
0xc2: {  	[dreg:$0x0] =	wrdreg $0xFFFFFFFF;
	(pc) =	sbr.abs _section_cstart, $3  }
0xc3: {  	[dreg:$0x1] =	wrdreg $0xFFFFFFFF  }
0xc4: {  	_ =	task.clear_ibuf [dreg:s9], $0x2FFFF;
	_ =	strace $0x9FFFFFFF  }
0xc5: {  	(tm) =	ssettm $0x7FFFFFFF  }
tec
execute0_lowered:
.L_overlay_start_1:
0x0: {  	(tag) =	ssettag $0x1  }
0x1: {  	s0 =	rddreg [dreg:$0x0]  }
0x2: {  	s2 =	rddreg [dreg:$0x1]  }
0x3: {  	s1 =	srdreg.scid;
	s3 =	rddreg [dreg:$0x2]  }
0x4: {  	s9 =	stileid.u32;
	s4 =	simm.s32 $0x0;
	s13 =	simm.s32 $0x80  }
0x5: {  	s16 =	simm.s32 $0x14000;
	s28 =	simm.s32 $0x8;
	s31 =	simm.s32 $0x6  }
0x6: {  	s10 =	simm.s32 $0xB;
	s30 =	simm.s32 $0x18000;
	s1 =	sand.u32 $0x1, s1  }
0x7: {  	s5 =	sshll.u32 s9, $0xA;
	[smem:$0x7FF] =	sst s4;
	s29 =	sshll.u32 s9, $0x11  }
0x8: {  	s6 =	sshll.u32 s1, $0x9;
	s7 =	ssub.s32 $0x2, s1;
	_ =	strace $0x80000047  }
0x9: {  	s1 =	sshll.u32 s1, $0x10;
	s5 =	sor.u32 s6, s5;
	s22 =	sshrl.u32 s7, $0x1  }
0xa: {  	s8 =	sshll.u32 s5, $0x4;
	s6 =	ssub.s32 s7, s22;
	s0 =	sadd.s32 s0, s5  }
0xb: {  	s7 =	simm.s32 $0x8000;
	s22 =	simm.s32 $0x1;
	s5 =	simm.s32 $0x0  }
.Ltmp0:
0xc: {  	[dreg:$0x4] =	wrdreg s0;
	s26 =	smax.u32 s6, $0x1;
	(pc) =	sbr.rel .LBB2_1-.Ltmp0, $4  }
0xd: {  	s23 =	sadd.s32 s8, s3;
	s0 =	sor.u32 s1, s29;
	[dreg:$0x7] =	wrdreg s26  }
0xe: {  	s6 =	simm.s32 $0x4000;
	s24 =	sadd.s32 $0x641000, s23;
	[dreg:$0x8] =	wrdreg s0  }
0xf: {  	s25 =	sadd.s32 $0x641800, s23;
	s26 =	simm.s32 $0x8000;
	[dreg:$0x5] =	wrdreg s24  }
0x10: {  	[dreg:$0x6] =	wrdreg s25;
	s24 =	simm.s32 $0x2;
	s25 =	simm.s32 $0x7  }
.LBB2_4:
0x11: {  	_ =	swait.ge [sflag:s22], $0x4000  }
0x12: {  	[sflag:s22] =	ssyncset.done $0x0  }
0x13: {  	s6 =	simm.s32 $0x4000;
	s0 =	rddreg [dreg:$0x5];
	[sflag:s22] =	ssyncadd.s32 $0xFFFFC000  }
0x14: {  	[hbm4b:s0+s4] =	stream.linear.scatter [tilespmem:s6], [sflag:$0x7], $0x4000, $0x38;
	[tilespmem:$0x1C000] =	vst v63  }
0x15: {  	_ =	swait.ge [sflag:s24], $0x4000  }
0x16: {  	[sflag:s24] =	ssyncset.done $0x0  }
0x17: {  	s7 =	simm.s32 $0x8000;
	s20 =	rddreg [dreg:$0x6];
	[sflag:s24] =	ssyncadd.s32 $0xFFFFC000  }
0x18: {  	[hbm4b:s20+s4] =	stream.linear.scatter [tilespmem:s7], [sflag:$0x8], $0x4000, $0x38;
	[tilespmem:$0x1C000] =	vst v63  }
0x19: {  	_ =	swait.ge [sflag:s25], $0x4000  }
0x1a: {  	[sflag:s25] =	ssyncset.done $0x0  }
0x1b: {  	[sflag:s25] =	ssyncadd.s32 $0xFFFFC000  }
0x1c: {  	_ =	swait.ge [sflag:s28], $0x4000  }
0x1d: {  	[sflag:s28] =	ssyncset.done $0x0  }
0x1e: {  	s21 =	simm.s32 $0x9;
	[sflag:s28] =	ssyncadd.s32 $0xFFFFC000  }
0x1f: {  	_ =	swait.ge [sflag:s21], $0x4000  }
0x20: {  	[sflag:s21] =	ssyncset.done $0x0  }
0x21: {  	s23 =	simm.s32 $0xA;
	[sflag:s21] =	ssyncadd.s32 $0xFFFFC000  }
0x22: {  	_ =	swait.ge [sflag:s23], $0x4000  }
0x23: {  	[sflag:s23] =	ssyncset.done $0x0  }
0x24: {  	[sflag:s23] =	ssyncadd.s32 $0xFFFFC000  }
0x25: {  	_ =	swait.ge [sflag:s10], $0x4000  }
0x26: {  	[sflag:s10] =	ssyncset.done $0x0  }
0x27: {  	s1 =	simm.s32 $0xC;
	[sflag:s10] =	ssyncadd.s32 $0xFFFFC000  }
0x28: {  	_ =	swait.ge [sflag:s1], $0x4000  }
0x29: {  	s5 =	rddreg [dreg:$0x9]  }
0x2a: {  	s29 =	rddreg [dreg:$0x7];
	s5 =	sadd.s32 $0x1, s5  }
0x2b: {  	p0 =	sne.s32 s5, s29  }
.Ltmp1:
0x2c: {  	_ = 	snop;
	(pc) =	sbr.rel @!p0 .LBB2_5-.Ltmp1, $3  }
0x2d: {  	_ =	sdelay $0x1  }
0x2e: {  	[sflag:s1] =	ssyncset.done $0x0  }
0x2f: {  	[sflag:s1] =	ssyncadd.s32 $0xFFFFC000  }
.LBB2_1:
0x30: {  	[dreg:$0x9] =	wrdreg s5  }
0x31: {  	s0 =	rddreg [dreg:$0x4]  }
0x32: {  	s1 =	simm.s32 $0x1000;
	s15 =	simm.s32 $0x20000;
	s17 =	simm.s32 $0xD  }
0x33: {  	[tilespmem:s4], [sflag:$0xD] =	stream.strided.gather [hbm4b:s0+s1], $0x4000, s15, s1, $0x38;
	[tilespmem:$0x1C000] =	vst v63  }
0x34: {  	s18 =	simm.s32 $0x400;
	s19 =	simm.s32 $0x800;
	_ =	swait.ge [sflag:s17], $0x4000  }
0x35: {  	s20 =	simm.s32 $0xC000;
	s21 =	simm.s32 $0xC00;
	[sflag:s17] =	ssyncset.done $0x0  }
0x36: {  	s23 =	simm.s32 $0x10000;
	s5 =	simm.s32 $0x6;
	[sflag:s17] =	ssyncadd.s32 $0xFFFFC000  }
0x37: {  	[tilespmem:s6], [sflag:$0x1] =	stream.indirect.gather [hbm4b:s2+s13], $0x80, s4, s13, $0xb8;
	[tilespmem:$0x1C000] =	vst v63  }
0x38: {  	s8 =	simm.s32 $0x3;
	s9 =	simm.s32 $0x8;
	s12 =	simm.s32 $0x4  }
0x39: {  	[tilespmem:s7], [sflag:$0x2] =	stream.indirect.gather [hbm4b:s2+s13], $0x80, s18, s13, $0xb8;
	[tilespmem:$0x1C000] =	vst v63  }
0x3a: {  	s11 =	simm.s32 $0x0;
	s29 =	simm.s32 $0x14000;
	s0 =	simm.s32 $0x9  }
0x3b: {  	[tilespmem:s20], [sflag:$0x3] =	stream.indirect.gather [hbm4b:s2+s13], $0x80, s19, s13, $0xb8;
	[tilespmem:$0x1C000] =	vst v63  }
0x3c: {  	s1 =	simm.s32 $0xA;
	s15 =	rddreg [dreg:$0x8];
	s17 =	simm.s32 $0x2800  }
0x3d: {  	[tilespmem:s23], [sflag:$0x4] =	stream.indirect.gather [hbm4b:s2+s13], $0x80, s21, s13, $0xb8;
	[tilespmem:$0x1C000] =	vst v63  }
0x3e: {  	s6 =	simm.s32 $0x2;
	s7 =	simm.s32 $0x7;
	s19 =	simm.s32 $0x5  }
0x3f: {  	[tilespmem:s16], [sflag:$0x5] =	stream.indirect.gather [hbm4b:s2+s13], $0x80, s13, s13, $0xb8;
	[tilespmem:$0x1C000] =	vst v63  }
.LBB2_2:
0x40: {  	s18 =	sshrl.u32 s11, $0x2  }
0x41: {  	s18 =	smul.u32 $0x1F0000, s18;
	_ =	sdelay $0x1  }
0x42: {  	s18 =	sor.u32 $0x4000, s18  }
0x43: {  	s21 =	sshll.u32 s19, $0x9;
	_ =	swait.ge [sflag:s22], $0x4000;
	s20 =	sadd.s32 s18, s15  }
0x44: {  	s23 =	sshll.u32 s19, $0x7;
	s16 =	simm.s32 $0x4000;
	s14 =	sadd.s32 $0xFFFFC000, s20  }
0x45: {  	p0 =	seq.s32 s11, $0x0;
	[sflag:s22] =	ssyncset.done $0x0;
	s14 =	sshrl.u32 s14, $0x3  }
0x46: {  	[sflag:s22] =	ssyncadd.s32 $0xFFFFC000;
	s18 =	sshrl.u32 s19, $0x2;
	s14 =	sadd.s32 s3, s14  }
0x47: {  	[hbm4b:s14+s4] =	stream.linear.scatter [tilespmem:s16], [sflag:$0x7], $0x4000, $0x38;
	[tilespmem:$0x1C000] =	vst v63  }
0x48: {  	s23 =	sand.u32 $0xE00, s23;
	s14 =	sand.u32 $0xFFFFC000, s21;
	s21 =	sshll.u32 s18, $0xE  }
0x49: {  	s21 =	ssub.s32 $0x0, s21;
	s14 =	sadd.s32 s14, s23;
	s23 =	simm.s32 @!p0 $0xC  }
0x4a: {  	s20 =	sshrl.u32 s20, $0x3;
	s14 =	sadd.s32 s21, s14;
	_ =	swait.ge @!p0 [sflag:s23], $0x4000  }
0x4b: {  	s20 =	sadd.s32 s3, s20;
	s14 =	sshra.s32 s14, $0x2;
	[sflag:s23] =	ssyncset.done @!p0 $0x0  }
0x4c: {  	s21 =	sshll.u32 s5, $0x9;
	s14 =	sadd.s32 s14, s17;
	[sflag:s23] =	ssyncadd.s32 @!p0 $0xFFFFC000  }
0x4d: {  	s23 =	sshll.u32 s5, $0xC;
	p0 =	seq.s32 s11, $0x60;
	s14 =	sadd.s32 $0xFFFFEC00, s14  }
0x4e: {  	[tilespmem:s30], [sflag:$0x6] =	stream.indirect.gather [hbm4b:s2+s13], $0x80, s14, s13, $0xb8;
	[tilespmem:$0x1C000] =	vst v63  }
0x4f: {  	s14 =	sand.u32 $0xFFFFC000, s21;
	s21 =	sand.u32 $0xFFFFC000, s23;
	s23 =	sshll.u32 s5, $0x7  }
0x50: {  	_ =	swait.ge [sflag:s24], $0x4000;
	s23 =	sand.u32 $0xE00, s23;
	s21 =	ssub.s32 $0x0, s21  }
0x51: {  	[sflag:s24] =	ssyncset.done $0x0;
	s14 =	sadd.s32 s14, s23;
	s23 =	sshrl.u32 s6, $0x2  }
0x52: {  	[sflag:s24] =	ssyncadd.s32 $0xFFFFC000;
	s14 =	sadd.s32 s21, s14;
	s21 =	smul.u32 $0x1F0000, s23  }
0x53: {  	[hbm4b:s20+s4] =	stream.linear.scatter [tilespmem:s26], [sflag:$0x8], $0x4000, $0x38;
	[tilespmem:$0x1C000] =	vst v63  }
0x54: {  	s23 =	sshll.u32 s7, $0x7;
	s14 =	sshra.s32 s14, $0x2;
	_ =	swait.ge [sflag:s25], $0x4000  }
0x55: {  	s14 =	sadd.s32 s14, s17;
	s21 =	sadd.s32 s21, s15;
	[sflag:s25] =	ssyncset.done $0x0  }
0x56: {  	s14 =	sadd.s32 $0xFFFFF000, s14;
	s21 =	sadd.s32 $0x8000, s21;
	[sflag:s25] =	ssyncadd.s32 $0xFFFFC000  }
0x57: {  	[tilespmem:s16], [sflag:$0x1] =	stream.indirect.gather [hbm4b:s2+s13], $0x80, s14, s13, $0xb8;
	[tilespmem:$0x1C000] =	vst v63  }
0x58: {  	s20 =	sshll.u32 s7, $0x9;
	s21 =	sshrl.u32 s21, $0x3;
	s16 =	sshll.u32 s7, $0xC  }
0x59: {  	s14 =	sand.u32 $0xFFFFC000, s20;
	s20 =	sand.u32 $0xFFFFC000, s16;
	s16 =	simm.s32 $0x3  }
0x5a: {  	s23 =	sand.u32 $0xE00, s23;
	s21 =	sadd.s32 s3, s21;
	_ =	swait.ge [sflag:s16], $0x4000  }
0x5b: {  	s14 =	sadd.s32 s14, s23;
	s20 =	ssub.s32 $0x0, s20;
	[sflag:s16] =	ssyncset.done $0x0  }
0x5c: {  	s14 =	sadd.s32 s20, s14;
	[sflag:s16] =	ssyncadd.s32 $0xFFFFC000;
	s16 =	simm.s32 $0xC000  }
0x5d: {  	[hbm4b:s21+s4] =	stream.linear.scatter [tilespmem:s16], [sflag:$0x9], $0x4000, $0x38;
	[tilespmem:$0x1C000] =	vst v63  }
0x5e: {  	s23 =	sshll.u32 s9, $0x9;
	s14 =	sshra.s32 s14, $0x2;
	s21 =	sshrl.u32 s8, $0x2  }
0x5f: {  	s14 =	sadd.s32 s14, s17;
	_ =	swait.ge [sflag:s28], $0x4000;
	s20 =	smul.u32 $0x1F0000, s21  }
0x60: {  	s16 =	simm.s32 $0x4;
	s14 =	sadd.s32 $0xFFFFF400, s14;
	[sflag:s28] =	ssyncset.done $0x0  }
0x61: {  	s21 =	sshll.u32 s9, $0xC;
	[sflag:s28] =	ssyncadd.s32 $0xFFFFC000;
	s20 =	sadd.s32 s20, s15  }
0x62: {  	[tilespmem:s26], [sflag:$0x2] =	stream.indirect.gather [hbm4b:s2+s13], $0x80, s14, s13, $0xb8;
	[tilespmem:$0x1C000] =	vst v63  }
0x63: {  	s14 =	sand.u32 $0xFFFFC000, s23;
	s20 =	sadd.s32 $0xC000, s20;
	_ =	swait.ge [sflag:s16], $0x4000  }
0x64: {  	s23 =	sshll.u32 s9, $0x7;
	s20 =	sshrl.u32 s20, $0x3;
	[sflag:s16] =	ssyncset.done $0x0  }
0x65: {  	s20 =	sadd.s32 s3, s20;
	[sflag:s16] =	ssyncadd.s32 $0xFFFFC000;
	s16 =	simm.s32 $0x10000  }
0x66: {  	[hbm4b:s20+s4] =	stream.linear.scatter [tilespmem:s16], [sflag:$0xA], $0x4000, $0x38;
	[tilespmem:$0x1C000] =	vst v63  }
0x67: {  	s16 =	sand.u32 $0xFFFFC000, s21;
	s21 =	sand.u32 $0xE00, s23;
	s23 =	simm.s32 @!p0 $0x9  }
0x68: {  	s20 =	ssub.s32 $0x0, s16;
	s14 =	sadd.s32 @!p0 s14, s21;
	_ =	swait.ge @!p0 [sflag:s23], $0x4000  }
0x69: {  	s21 =	sshrl.u32 s12, $0x2;
	s14 =	sadd.s32 @!p0 s20, s14;
	[sflag:s23] =	ssyncset.done @!p0 $0x0  }
0x6a: {  	s20 =	smul.u32 $0x1F0000, s21;
	s21 =	simm.s32 @!p0 $0x80;
	s14 =	sshra.s32 @!p0 s14, $0x2  }
0x6b: {  	[sflag:s23] =	ssyncadd.s32 @!p0 $0xFFFFC000;
	s23 =	simm.s32 @!p0 $0xC000;
	s14 =	sadd.s32 @!p0 s14, s17  }
0x6c: {  	s16 =	sadd.s32 s20, s15;
	s20 =	simm.s32 $0x5;
	s14 =	sadd.s32 @!p0 $0xFFFFF800, s14  }
0x6d: {  	[tilespmem:s23], [sflag:$0x3] =	stream.indirect.gather @!p0 [hbm4b:s2+s21], $0x80, s14, s21, $0xb8;
	[tilespmem:$0x1C000] =	vst v63  }
0x6e: {  	s14 =	sadd.s32 $0x10000, s16;
	_ =	swait.ge [sflag:s20], $0x4000  }
0x6f: {  	s14 =	sshrl.u32 s14, $0x3;
	[sflag:s20] =	ssyncset.done $0x0  }
0x70: {  	s14 =	sadd.s32 s3, s14;
	[sflag:s20] =	ssyncadd.s32 $0xFFFFC000  }
0x71: {  	[hbm4b:s14+s4] =	stream.linear.scatter [tilespmem:s29], [sflag:$0xB], $0x4000, $0x38;
	[tilespmem:$0x1C000] =	vst v63  }
0x72: {  	s23 =	sshll.u32 s0, $0x9;
	s16 =	sshll.u32 s0, $0x7;
	s29 =	sshll.u32 s0, $0xC  }
0x73: {  	s14 =	sand.u32 $0xFFFFC000, s23;
	s23 =	sand.u32 $0xE00, s16;
	s20 =	sand.u32 $0xFFFFC000, s29  }
0x74: {  	s14 =	sadd.s32 @!p0 s14, s23;
	s20 =	ssub.s32 $0x0, s20  }
0x75: {  	s14 =	sadd.s32 @!p0 s20, s14;
	s20 =	simm.s32 @!p0 $0xA  }
0x76: {  	_ =	swait.ge @!p0 [sflag:s20], $0x4000;
	s14 =	sshra.s32 @!p0 s14, $0x2  }
0x77: {  	s18 =	smul.u32 $0x1F0000, s18;
	[sflag:s20] =	ssyncset.done @!p0 $0x0;
	s14 =	sadd.s32 @!p0 s14, s17  }
0x78: {  	[sflag:s20] =	ssyncadd.s32 @!p0 $0xFFFFC000;
	s14 =	sadd.s32 @!p0 $0xFFFFFC00, s14;
	s20 =	simm.s32 @!p0 $0x10000  }
0x79: {  	[tilespmem:s20], [sflag:$0x4] =	stream.indirect.gather @!p0 [hbm4b:s2+s21], $0x80, s14, s21, $0xb8;
	[tilespmem:$0x1C000] =	vst v63  }
.Ltmp2:
0x7a: {  	s29 =	sadd.s32 s18, s15;
	(pc) =	sbr.rel @p0 .LBB2_4-.Ltmp2, $4  }
0x7b: {  	s14 =	sadd.s32 $0x14000, s29;
	_ =	swait.ge [sflag:s31], $0x4000  }
0x7c: {  	s14 =	sshrl.u32 s14, $0x3;
	[sflag:s31] =	ssyncset.done $0x0  }
0x7d: {  	s16 =	simm.s32 $0x14000;
	s14 =	sadd.s32 s3, s14;
	[sflag:s31] =	ssyncadd.s32 $0xFFFFC000  }
0x7e: {  	[hbm4b:s14+s4] =	stream.linear.scatter [tilespmem:s30], [sflag:$0xC], $0x4000, $0x38;
	[tilespmem:$0x1C000] =	vst v63  }
0x7f: {  	s14 =	sshll.u32 s1, $0x9  }
0x80: {  	s18 =	sshll.u32 s1, $0xC;
	s20 =	sshll.u32 s1, $0x7;
	_ =	swait.ge [sflag:s10], $0x4000  }
0x81: {  	s15 =	sadd.s32 $0x18000, s15;
	s11 =	sadd.s32 $0x6, s11;
	s1 =	sadd.s32 $0x6, s1  }
0x82: {  	s0 =	sadd.s32 $0x6, s0;
	s12 =	sadd.s32 $0x6, s12;
	s9 =	sadd.s32 $0x6, s9  }
0x83: {  	s8 =	sadd.s32 $0x6, s8;
	s7 =	sadd.s32 $0x6, s7;
	s6 =	sadd.s32 $0x6, s6  }
0x84: {  	s14 =	sand.u32 $0xFFFFC000, s14;
	s18 =	sand.u32 $0xFFFFC000, s18;
	s20 =	sand.u32 $0xE00, s20  }
.Ltmp3:
0x85: {  	s18 =	ssub.s32 $0x0, s18;
	s14 =	sadd.s32 s14, s20;
	(pc) =	sbr.rel .LBB2_2-.Ltmp3, $4  }
0x86: {  	s5 =	sadd.s32 $0x6, s5;
	s19 =	sadd.s32 $0x6, s19;
	s14 =	sadd.s32 s18, s14  }
0x87: {  	s29 =	simm.s32 $0x14000;
	[sflag:s10] =	ssyncset.done $0x0;
	s14 =	sshra.s32 s14, $0x2  }
0x88: {  	[sflag:s10] =	ssyncadd.s32 $0xFFFFC000;
	s14 =	sadd.s32 s14, s17;
	s17 =	sadd.s32 $0x1800, s17  }
0x89: {  	[tilespmem:s16], [sflag:$0x5] =	stream.indirect.gather [hbm4b:s2+s13], $0x80, s14, s13, $0xb8;
	[tilespmem:$0x1C000] =	vst v63  }
.LBB2_5:
0x8a: {  	_ =	sfence.sel $0x180000  }
0x8b: {  	[bflag:$0x0] =	sbarrier.arrive $0xFFFF  }
0x8c: {  	_ =	strace $0x90000047  }
0x8d: {  	s0 =	stileid.u32;
	[bflag:$0x2] =	sbarrier.arrive $0xFFFF  }
0x8e: {  	p0 =	sne.s32 s0, $0x0;
	s0 =	rddreg [dreg:$0x3]  }
0x8f: {  	s0 =	sadd.s32 @!p0 $0x100000, s0  }
0x90: {  	[sflag:s0] =	ssyncadd.tile.s32 @!p0 $0x1;
	_ =	shalt  }
.Lfunc_end2:
_tile_overlayer_lowered:
.L_overlay_start_2:
0x91: {  	(tag) =	ssettag $0x2  }
0x92: {  	s0 =	rddreg [dreg:$0x0];
	s2 =	stileid.u32  }
0x93: {  	s1 =	rddreg [dreg:$0x1];
	p0 =	sne.s32 s2, $0x0  }
0x94: {  	s3 =	rddreg [dreg:$0x2];
	[bflag:$0x3] =	sbarrier.arrive $0xFFFF;
	s2 =	simm.s32 @!p0 $0x1C0D  }
0x95: {  	[timem:s3], [sflag:s2] =	dma.local @!p0 [hbm:s0], s1  }
0x96: {  	s0 =	simm.s32 @!p0 $0xD  }
0x97: {  	_ =	swait.ge @!p0 [sflag:s0], s1  }
0x98: {  	s1 =	ssub.s32 @!p0 $0x0, s1;
	[sflag:s0] =	ssyncset.done @!p0 $0x0  }
0x99: {  	[sflag:s0] =	ssyncadd.s32 @!p0 s1  }
0x9a: {  	[bflag:$0x3] =	sbarrier.arrive $0xFFFF  }
0x9b: {  	_ =	shalt  }

</sc_bundles>
